<compile_context>
chip_gen: v7x
topology: tpu7x:2x2x1
jax: 0.10.2.dev20260603
libtpu: 0.0.44.dev20260713+nightly
codegen_flags: <defaults>
</compile_context>

<pallas_src>
import functools

import jax
import jax.numpy as jnp
from jax import lax
from jax.experimental import pallas as pl
from jax.experimental.pallas import tpu as pltpu
from jax.experimental.pallas import tpu_sc as plsc

N = 10000
E = 160000
F_IN = 128
H = 32
C = 40

NC = 2
NS = 16
NW = NC * NS
CH = 200
NROWS = E // CH
MAXR = NROWS // NW
NP = N + 16
NPD = 10240

_MESH = plsc.VectorSubcoreMesh(core_axis_name="c", subcore_axis_name="s")


@functools.partial(
    pl.kernel,
    out_type=jax.ShapeDtypeStruct((NC, NPD), jnp.float32),
    mesh=_MESH,
    scratch_types=[
        pltpu.VMEM((MAXR, CH), jnp.int32),
        pltpu.VMEM((CH,), jnp.float32),
        pltpu.VMEM_SHARED((NPD,), jnp.float32),
        pltpu.SemaphoreType.DMA,
    ],
    compiler_params=pltpu.CompilerParams(use_tc_tiling_on_sc=False),
)
def _deg_sc(dst2d_hbm, ones_hbm, zeros_hbm, out_hbm, dsti_v, ones_v, acc_sh, sem):
    c = lax.axis_index("c")
    s = lax.axis_index("s")
    w = c * NS + s
    start_row = w * MAXR

    @pl.when(s == 0)
    def _zero():
        pltpu.sync_copy(zeros_hbm, acc_sh)

    pltpu.sync_copy(dst2d_hbm.at[pl.ds(start_row, MAXR)], dsti_v)
    pltpu.sync_copy(ones_hbm, ones_v)
    plsc.subcore_barrier()

    def body(j, carry):
        pltpu.sync_copy(ones_v, acc_sh.at[dsti_v.at[j]], add=True)
        return carry

    lax.fori_loop(0, MAXR, body, 0)
    plsc.subcore_barrier()

    @pl.when(s == 0)
    def _flush():
        pltpu.sync_copy(acc_sh, out_hbm.at[c])


@functools.partial(
    pl.kernel,
    out_type=jax.ShapeDtypeStruct((NC, N, H), jnp.float32),
    mesh=_MESH,
    scratch_types=[
        pltpu.VMEM((MAXR * CH,), jnp.int32),
        pltpu.VMEM((MAXR, CH), jnp.int32),
        pltpu.VMEM((CH, H), jnp.float32),
        pltpu.VMEM((CH, H), jnp.float32),
        pltpu.VMEM_SHARED((N, H), jnp.float32),
        pltpu.VMEM_SHARED((NP, H), jnp.float32),
        pltpu.SemaphoreType.DMA,
        pltpu.SemaphoreType.DMA,
    ],
    compiler_params=pltpu.CompilerParams(use_tc_tiling_on_sc=False),
)
def _agg_sc(hp_hbm, src_hbm, dst2d_hbm, zeros_hbm, out_hbm,
            srci_v, dsti_v, rows0_v, rows1_v, hp_sh, acc_sh, sem0, sem1):
    c = lax.axis_index("c")
    s = lax.axis_index("s")
    w = c * NS + s
    start_row = w * MAXR

    TR = N // NS
    ZR = NP // NS
    pltpu.sync_copy(hp_hbm.at[pl.ds(s * TR, TR)], hp_sh.at[pl.ds(s * TR, TR)])
    pltpu.sync_copy(zeros_hbm.at[pl.ds(s * ZR, ZR)], acc_sh.at[pl.ds(s * ZR, ZR)])

    pltpu.sync_copy(src_hbm.at[pl.ds(start_row * CH, MAXR * CH)], srci_v)
    pltpu.sync_copy(dst2d_hbm.at[pl.ds(start_row, MAXR)], dsti_v)
    plsc.subcore_barrier()

    pltpu.async_copy(hp_sh.at[srci_v.at[pl.ds(0, CH)]], rows0_v, sem0)

    def body(g, carry):
        j0 = 2 * g
        j1 = j0 + 1
        cp1 = pltpu.async_copy(
            hp_sh.at[srci_v.at[pl.ds(j1 * CH, CH)]], rows1_v, sem1)
        pltpu.make_async_copy(hp_hbm.at[pl.ds(0, CH)], rows0_v, sem0).wait()
        pltpu.sync_copy(rows0_v, acc_sh.at[dsti_v.at[j0]], add=True)
        nxt = j0 + 2

        @pl.when(nxt < MAXR)
        def _issue_next_even():
            pltpu.async_copy(
                hp_sh.at[srci_v.at[pl.ds(nxt * CH, CH)]], rows0_v, sem0)

        cp1.wait()
        pltpu.sync_copy(rows1_v, acc_sh.at[dsti_v.at[j1]], add=True)
        return carry

    lax.fori_loop(0, MAXR // 2, body, 0)
    pltpu.make_async_copy(hp_hbm.at[pl.ds(0, CH)], rows0_v, sem0).wait()
    pltpu.sync_copy(rows0_v, acc_sh.at[dsti_v.at[MAXR - 1]], add=True)
    plsc.subcore_barrier()

    @pl.when(s == 0)
    def _flush():
        pltpu.sync_copy(acc_sh.at[pl.ds(0, N)], out_hbm.at[c])



_RB = 400


def _fold_body(b_ref, a1w_ref, a1b_ref, a2w_ref, a2b_ref, a3w_ref, a3b_ref,
               a4w_ref, a4b_ref, bae1_ref, bout_ref):
    v1 = jnp.dot(b_ref[...], a1w_ref[...], preferred_element_type=jnp.float32)
    v1 = v1 + a1b_ref[...]
    bae1_ref[...] = v1
    u = jnp.dot(v1, a2w_ref[...], preferred_element_type=jnp.float32) + a2b_ref[...]
    u = jnp.dot(u, a3w_ref[...], preferred_element_type=jnp.float32) + a3b_ref[...]
    bout_ref[...] = (
        jnp.dot(u, a4w_ref[...], preferred_element_type=jnp.float32) + a4b_ref[...]
    )


def _fold(b, A1W, A1b, A2W, A2b, A3W, A3b, A4W, A4b):
    full = lambda shape: pl.BlockSpec(shape, lambda i: (0, 0))
    return pl.pallas_call(
        _fold_body,
        grid=(N // _RB,),
        in_specs=[
            pl.BlockSpec((_RB, N), lambda i: (i, 0)),
            full((N, H)), full((1, H)),
            full((H, H)), full((1, H)),
            full((H, H)), full((1, H)),
            full((H, N)), full((1, N)),
        ],
        out_specs=[
            pl.BlockSpec((_RB, H), lambda i: (i, 0)),
            pl.BlockSpec((_RB, N), lambda i: (i, 0)),
        ],
        out_shape=[
            jax.ShapeDtypeStruct((N, H), jnp.float32),
            jax.ShapeDtypeStruct((N, N), jnp.float32),
        ],
        compiler_params=pltpu.CompilerParams(
            dimension_semantics=("parallel",),
        ),
    )(b, A1W, A1b.reshape(1, H), A2W, A2b.reshape(1, H),
      A3W, A3b.reshape(1, H), A4W, A4b.reshape(1, N))


def _glue1_body(x_ref, w1_ref, degc_ref, hp1_ref):
    dinv = lax.rsqrt(degc_ref[...] + 1.0)
    hp1_ref[...] = (
        jnp.dot(x_ref[...], w1_ref[...], preferred_element_type=jnp.float32) * dinv
    )


def _glue1(x, W1, degcol):
    return pl.pallas_call(
        _glue1_body,
        out_shape=jax.ShapeDtypeStruct((N, H), jnp.float32),
    )(x, W1, degcol)


def _bn_relu(t, g, be):
    m = jnp.mean(t, axis=0, keepdims=True)
    v = jnp.mean((t - m) ** 2, axis=0, keepdims=True)
    return jnp.maximum((t - m) * lax.rsqrt(v + 1e-5) * g + be, 0.0)


def _glue2_body(a_ref, b_ref, hp1_ref, degc_ref, b1_ref, g1_ref, be1_ref,
                bae1_ref, w2_ref, x0_ref, hp2_ref):
    dinv = lax.rsqrt(degc_ref[...] + 1.0)
    t = dinv * (a_ref[...] + b_ref[...] + hp1_ref[...]) + b1_ref[...]
    x0 = _bn_relu(t, g1_ref[...], be1_ref[...])
    x0_ref[...] = x0
    hp2_ref[...] = (
        jnp.dot(x0 + bae1_ref[...], w2_ref[...], preferred_element_type=jnp.float32)
        * dinv
    )


def _glue2(agg_a, agg_b, hp1, degcol, b1, g1, be1, bae1, W2):
    return pl.pallas_call(
        _glue2_body,
        out_shape=[
            jax.ShapeDtypeStruct((N, H), jnp.float32),
            jax.ShapeDtypeStruct((N, H), jnp.float32),
        ],
    )(agg_a, agg_b, hp1, degcol, b1.reshape(1, H), g1.reshape(1, H),
      be1.reshape(1, H), bae1, W2)


def _glue3_body(a_ref, b_ref, hp2_ref, degc_ref, b2_ref, g2_ref, be2_ref,
                x0_ref, jwa_ref, jwb_ref, jb_ref, out_ref):
    dinv = lax.rsqrt(degc_ref[...] + 1.0)
    t = dinv * (a_ref[...] + b_ref[...] + hp2_ref[...]) + b2_ref[...]
    x1 = _bn_relu(t, g2_ref[...], be2_ref[...])
    logits = (
        jnp.dot(x0_ref[...], jwa_ref[...], preferred_element_type=jnp.float32)
        + jnp.dot(x1, jwb_ref[...], preferred_element_type=jnp.float32)
        + jb_ref[...]
    )
    mx = jnp.max(logits, axis=1, keepdims=True)
    sh = logits - mx
    out_ref[...] = sh - jnp.log(jnp.sum(jnp.exp(sh), axis=1, keepdims=True))


def _glue3(agg_a, agg_b, hp2, degcol, b2, g2, be2, x0, JW, Jb):
    return pl.pallas_call(
        _glue3_body,
        out_shape=jax.ShapeDtypeStruct((N, C), jnp.float32),
    )(agg_a, agg_b, hp2, degcol, b2.reshape(1, H), g2.reshape(1, H),
      be2.reshape(1, H), x0, JW[:H], JW[H:], Jb.reshape(1, C))


def _foldA_body(b_ref, a1w_ref, a1b_ref, bae1_ref):
    bae1_ref[...] = (
        jnp.dot(b_ref[...], a1w_ref[...], preferred_element_type=jnp.float32)
        + a1b_ref[...]
    )


def _foldB_body(bae1_ref, a2w_ref, a2b_ref, a3w_ref, a3b_ref,
                a4w_ref, a4b_ref, bout_ref):
    u = jnp.dot(bae1_ref[...], a2w_ref[...],
                preferred_element_type=jnp.float32) + a2b_ref[...]
    u = jnp.dot(u, a3w_ref[...], preferred_element_type=jnp.float32) + a3b_ref[...]
    bout_ref[...] = (
        jnp.dot(u, a4w_ref[...], preferred_element_type=jnp.float32) + a4b_ref[...]
    )


def _fold_split(b, A1W, A1b, A2W, A2b, A3W, A3b, A4W, A4b):
    full = lambda shape: pl.BlockSpec(shape, lambda i: (0, 0))
    bae1 = pl.pallas_call(
        _foldA_body,
        grid=(N // _RB,),
        in_specs=[
            pl.BlockSpec((_RB, N), lambda i: (i, 0)),
            full((N, H)), full((1, H)),
        ],
        out_specs=pl.BlockSpec((_RB, H), lambda i: (i, 0)),
        out_shape=jax.ShapeDtypeStruct((N, H), jnp.float32),
        compiler_params=pltpu.CompilerParams(
            dimension_semantics=("parallel",),
        ),
    )(b, A1W, A1b.reshape(1, H))
    bout = pl.pallas_call(
        _foldB_body,
        grid=(N // _RB,),
        in_specs=[
            pl.BlockSpec((_RB, H), lambda i: (i, 0)),
            full((H, H)), full((1, H)),
            full((H, H)), full((1, H)),
            full((H, N)), full((1, N)),
        ],
        out_specs=pl.BlockSpec((_RB, N), lambda i: (i, 0)),
        out_shape=jax.ShapeDtypeStruct((N, N), jnp.float32),
        compiler_params=pltpu.CompilerParams(
            dimension_semantics=("parallel",),
        ),
    )(bae1, A2W, A2b.reshape(1, H), A3W, A3b.reshape(1, H),
      A4W, A4b.reshape(1, N))
    return bae1, bout


def kernel(b, x, edge_index, W1, b1, W2, b2, g1, be1, g2, be2,
           A1W, A1b, A2W, A2b, A3W, A3b, A4W, A4b, JW, Jb):
    src = edge_index[0]
    dst = edge_index[1]
    src_pad = src
    dst2d = dst.reshape(NROWS, CH)
    zeros_n = jnp.zeros((NPD,), jnp.float32)
    zeros_nh = jnp.zeros((NP, H), jnp.float32)
    ones_ch = jnp.ones((CH,), jnp.float32)

    deg2 = _deg_sc(dst2d, ones_ch, zeros_n)
    degcol = (deg2[0, :N] + deg2[1, :N]).reshape(N, 1)

    hp1 = _glue1(x, W1, degcol)
    agg1 = _agg_sc(hp1, src_pad, dst2d, zeros_nh)

    bae1, bout = _fold_split(b, A1W, A1b, A2W, A2b, A3W, A3b, A4W, A4b)

    x0, hp2 = _glue2(agg1[0], agg1[1], hp1, degcol, b1, g1, be1, bae1, W2)
    agg2 = _agg_sc(hp2, src_pad, dst2d, zeros_nh)
    out1 = _glue3(agg2[0], agg2[1], hp2, degcol, b2, g2, be2, x0, JW, Jb)
    return out1, bout

# --- scband reference (transcript-rebuilt; emitter-appended) ---
"""Pipeline reference for scband-t-gcn-88072599372111 (READ-ONLY COPY).

The authoritative reference and input builder live on the scoring server;
editing this copy changes nothing except your own understanding.
"""

import jax, jax.numpy as jnp
import numpy as np

N = 10000
E = 160000
F_IN = 128
H = 32
C = 40


def setup_inputs(seed: int = 0) -> dict:
    key = jax.random.key(seed)
    ks = jax.random.split(key, 24)
    inp = {}
    inp['b'] = jax.random.normal(ks[0], (N, N), dtype=jnp.float32)
    inp['x'] = jax.random.normal(ks[1], (N, F_IN), dtype=jnp.float32)
    inp['edge_index'] = jax.random.randint(ks[2], (2, E), 0, N, dtype=jnp.int32)
    # GCNConv weights (in, out) layout
    inp['W1'] = jax.random.normal(ks[3], (F_IN, H), dtype=jnp.float32) * (1.0 / np.sqrt(F_IN))
    inp['b1'] = jnp.zeros((H,), dtype=jnp.float32)
    inp['W2'] = jax.random.normal(ks[4], (H, H), dtype=jnp.float32) * (1.0 / np.sqrt(H))
    inp['b2'] = jnp.zeros((H,), dtype=jnp.float32)
    # BatchNorm params
    inp['g1'] = jnp.ones((H,), dtype=jnp.float32)
    inp['be1'] = jnp.zeros((H,), dtype=jnp.float32)
    inp['g2'] = jnp.ones((H,), dtype=jnp.float32)
    inp['be2'] = jnp.zeros((H,), dtype=jnp.float32)
    # Autoencoder linears: [Linear(N,H), Linear(H,H), Linear(H,H), Linear(H,N)]
    inp['A1W'] = jax.random.normal(ks[5], (N, H), dtype=jnp.float32) * (1.0 / np.sqrt(N))
    inp['A1b'] = jnp.zeros((H,), dtype=jnp.float32)
    inp['A2W'] = jax.random.normal(ks[6], (H, H), dtype=jnp.float32) * (1.0 / np.sqrt(H))
    inp['A2b'] = jnp.zeros((H,), dtype=jnp.float32)
    inp['A3W'] = jax.random.normal(ks[7], (H, H), dtype=jnp.float32) * (1.0 / np.sqrt(H))
    inp['A3b'] = jnp.zeros((H,), dtype=jnp.float32)
    inp['A4W'] = jax.random.normal(ks[8], (H, N), dtype=jnp.float32) * (1.0 / np.sqrt(H))
    inp['A4b'] = jnp.zeros((N,), dtype=jnp.float32)
    # jump: Linear(num_layers*H, C)
    inp['JW'] = jax.random.normal(ks[9], (2 * H, C), dtype=jnp.float32) * (1.0 / np.sqrt(2 * H))
    inp['Jb'] = jnp.zeros((C,), dtype=jnp.float32)
    return inp


def _gcn_conv(x, edge_index, W, bias):
    # PyG GCNConv: add self loops, symmetric normalization D^-1/2 (A+I) D^-1/2, then linear
    src = edge_index[0]
    dst = edge_index[1]
    loop = jnp.arange(N, dtype=src.dtype)
    src = jnp.concatenate([src, loop])
    dst = jnp.concatenate([dst, loop])
    deg = jnp.zeros((N,), dtype=x.dtype).at[dst].add(1.0)
    dinv = jax.lax.rsqrt(deg)  # deg >= 1 due to self loops
    norm = dinv[src] * dinv[dst]
    h = x @ W
    msg = h[src] * norm[:, None]
    out = jnp.zeros((N, W.shape[1]), dtype=x.dtype).at[dst].add(msg)
    return out + bias


def _bn(x, gamma, beta):
    # BatchNorm1d in training mode: batch stats with biased variance, eps=1e-5
    m = jnp.mean(x, axis=0)
    v = jnp.mean((x - m) ** 2, axis=0)
    return (x - m) / jnp.sqrt(v + 1e-5) * gamma + beta


def reference(b, x, edge_index, W1, b1, W2, b2, g1, be1, g2, be2, A1W, A1b, A2W, A2b, A3W, A3b, A4W, A4b, JW, Jb):
    xs = []
    # layer 0
    x = _gcn_conv(x, edge_index, W1, b1)
    x = _bn(x, g1, be1)
    x = jax.nn.relu(x)
    xs.append(x)
    b = b @ A1W + A1b
    x = x + b
    # layer 1
    x = _gcn_conv(x, edge_index, W2, b2)
    x = _bn(x, g2, be2)
    x = jax.nn.relu(x)
    xs.append(x)
    b = b @ A2W + A2b
    x = x + b
    # remaining autoencoder layers
    b = b @ A3W + A3b
    b = b @ A4W + A4b
    x = jnp.concatenate(xs, axis=1)
    x = x @ JW + Jb
    return jax.nn.log_softmax(x, axis=-1), b

if __name__ == "__main__":
    import jax
    _d = setup_inputs()
    print(jax.jit(kernel)(*tuple(_d.values())))

</pallas_src>

<mosaic_0001>
#map = affine_map<(d0, d1) -> (0, 0)>
#map1 = affine_map<(d0, d1) -> (0)>
#map2 = affine_map<(d0, d1) -> (0, 0, 0)>
module attributes {stable_mosaic.version = 14 : i64} {
  func.func @_agg_sc(%arg0: i32, %arg1: i32, %arg2: memref<10000x32xf32, #tpu.memory_space<hbm>>, %arg3: memref<160000xi32, #tpu.memory_space<hbm>>, %arg4: memref<800x200xi32, #tpu.memory_space<hbm>>, %arg5: memref<10016x32xf32, #tpu.memory_space<hbm>>, %arg6: memref<2x10000x32xf32, #tpu.memory_space<hbm>>, %arg7: memref<5000xi32, #tpu.memory_space<vmem>>, %arg8: memref<25x200xi32, #tpu.memory_space<vmem>>, %arg9: memref<200x32xf32, #tpu.memory_space<vmem>>, %arg10: memref<200x32xf32, #tpu.memory_space<vmem>>, %arg11: memref<10000x32xf32, #tpu.memory_space<vmem_shared>>, %arg12: memref<10016x32xf32, #tpu.memory_space<vmem_shared>>, %arg13: memref<!tpu.dma_semaphore, #tpu.memory_space<semaphore_mem>>, %arg14: memref<!tpu.dma_semaphore, #tpu.memory_space<semaphore_mem>>) attributes {dimension_semantics = [#tpu.dimension_semantics<core_parallel>, #tpu.dimension_semantics<subcore_parallel>], iteration_bounds = array<i64: 2, 16>, scalar_prefetch = 0 : i64, scratch_operands = 8 : i64, tpu.core_type = #tpu.core_type<sc_vector_subcore>, window_params = [{transform_indices = #map}, {transform_indices = #map1}, {transform_indices = #map}, {transform_indices = #map}, {transform_indices = #map2}]} {
    %mul3A = arith.constant 16 : i32
    %mul3A_0 = arith.muli %arg0, %mul3A : i32
    %add3A = arith.addi %mul3A_0, %arg1 : i32
    %mul3A_1 = arith.constant 25 : i32
    %mul3A_2 = arith.muli %add3A, %mul3A_1 : i32
    %mul3A_3 = arith.constant 625 : i32
    %mul3A_4 = arith.muli %arg1, %mul3A_3 : i32
    %mul3A_5 = arith.constant 625 : i32
    %mul3A_6 = arith.muli %arg1, %mul3A_5 : i32
    "tpu.region"() ({
      %run_scoped3A_30 = tpu.sem_alloc : memref<!tpu.dma_semaphore, #tpu.memory_space<semaphore_mem>>
      %dma_start3A_31 = arith.constant 0 : i32
      %dma_start3A_32 = tpu.memref_slice %arg11[%mul3A_6, %dma_start3A_31] : memref<10000x32xf32, #tpu.memory_space<vmem_shared>> -> memref<625x32xf32, #tpu.memory_space<vmem_shared>>
      %dma_start3A_33 = arith.constant 0 : i32
      %dma_start3A_34 = tpu.memref_slice %arg2[%mul3A_4, %dma_start3A_33] : memref<10000x32xf32, #tpu.memory_space<hbm>> -> memref<625x32xf32, #tpu.memory_space<hbm>>
      tpu.enqueue_dma source(%dma_start3A_34 : memref<625x32xf32, #tpu.memory_space<hbm>>) target(%dma_start3A_32 : memref<625x32xf32, #tpu.memory_space<vmem_shared>>) target_semaphore(%run_scoped3A_30 : memref<!tpu.dma_semaphore, #tpu.memory_space<semaphore_mem>>)
      %dma_wait3A_35 = arith.constant 0 : i32
      %dma_wait3A_36 = tpu.memref_slice %arg11[%mul3A_6, %dma_wait3A_35] : memref<10000x32xf32, #tpu.memory_space<vmem_shared>> -> memref<625x32xf32, #tpu.memory_space<vmem_shared>>
      %dma_wait3A_37 = arith.constant 0 : i32
      %dma_wait3A_38 = tpu.memref_slice %arg2[%mul3A_4, %dma_wait3A_37] : memref<10000x32xf32, #tpu.memory_space<hbm>> -> memref<625x32xf32, #tpu.memory_space<hbm>>
      tpu.wait_dma2 semaphore(%run_scoped3A_30 : memref<!tpu.dma_semaphore, #tpu.memory_space<semaphore_mem>>) src(%dma_wait3A_38 : memref<625x32xf32, #tpu.memory_space<hbm>>) dst(%dma_wait3A_36 : memref<625x32xf32, #tpu.memory_space<vmem_shared>>)
      tpu.yield
    }) : () -> ()
    %mul3A_7 = arith.constant 626 : i32
    %mul3A_8 = arith.muli %arg1, %mul3A_7 : i32
    %mul3A_9 = arith.constant 626 : i32
    %mul3A_10 = arith.muli %arg1, %mul3A_9 : i32
    "tpu.region"() ({
      %run_scoped3A_30 = tpu.sem_alloc : memref<!tpu.dma_semaphore, #tpu.memory_space<semaphore_mem>>
      %dma_start3A_31 = arith.constant 0 : i32
      %dma_start3A_32 = tpu.memref_slice %arg12[%mul3A_10, %dma_start3A_31] : memref<10016x32xf32, #tpu.memory_space<vmem_shared>> -> memref<626x32xf32, #tpu.memory_space<vmem_shared>>
      %dma_start3A_33 = arith.constant 0 : i32
      %dma_start3A_34 = tpu.memref_slice %arg5[%mul3A_8, %dma_start3A_33] : memref<10016x32xf32, #tpu.memory_space<hbm>> -> memref<626x32xf32, #tpu.memory_space<hbm>>
      tpu.enqueue_dma source(%dma_start3A_34 : memref<626x32xf32, #tpu.memory_space<hbm>>) target(%dma_start3A_32 : memref<626x32xf32, #tpu.memory_space<vmem_shared>>) target_semaphore(%run_scoped3A_30 : memref<!tpu.dma_semaphore, #tpu.memory_space<semaphore_mem>>)
      %dma_wait3A_35 = arith.constant 0 : i32
      %dma_wait3A_36 = tpu.memref_slice %arg12[%mul3A_10, %dma_wait3A_35] : memref<10016x32xf32, #tpu.memory_space<vmem_shared>> -> memref<626x32xf32, #tpu.memory_space<vmem_shared>>
      %dma_wait3A_37 = arith.constant 0 : i32
      %dma_wait3A_38 = tpu.memref_slice %arg5[%mul3A_8, %dma_wait3A_37] : memref<10016x32xf32, #tpu.memory_space<hbm>> -> memref<626x32xf32, #tpu.memory_space<hbm>>
      tpu.wait_dma2 semaphore(%run_scoped3A_30 : memref<!tpu.dma_semaphore, #tpu.memory_space<semaphore_mem>>) src(%dma_wait3A_38 : memref<626x32xf32, #tpu.memory_space<hbm>>) dst(%dma_wait3A_36 : memref<626x32xf32, #tpu.memory_space<vmem_shared>>)
      tpu.yield
    }) : () -> ()
    %mul3A_11 = arith.constant 200 : i32
    %mul3A_12 = arith.muli %mul3A_2, %mul3A_11 : i32
    "tpu.region"() ({
      %run_scoped3A_30 = tpu.sem_alloc : memref<!tpu.dma_semaphore, #tpu.memory_space<semaphore_mem>>
      %dma_start3A_31 = tpu.memref_slice %arg3[%mul3A_12] : memref<160000xi32, #tpu.memory_space<hbm>> -> memref<5000xi32, #tpu.memory_space<hbm>>
      %dma_start3A_32 = tpu.memref_slice %arg3[%mul3A_12] : memref<160000xi32, #tpu.memory_space<hbm>> -> memref<5000xi32, #tpu.memory_space<hbm>>
      tpu.enqueue_dma source(%dma_start3A_32 : memref<5000xi32, #tpu.memory_space<hbm>>) target(%arg7 : memref<5000xi32, #tpu.memory_space<vmem>>) target_semaphore(%run_scoped3A_30 : memref<!tpu.dma_semaphore, #tpu.memory_space<semaphore_mem>>)
      %dma_wait3A_33 = tpu.memref_slice %arg3[%mul3A_12] : memref<160000xi32, #tpu.memory_space<hbm>> -> memref<5000xi32, #tpu.memory_space<hbm>>
      %dma_wait3A_34 = tpu.memref_slice %arg3[%mul3A_12] : memref<160000xi32, #tpu.memory_space<hbm>> -> memref<5000xi32, #tpu.memory_space<hbm>>
      tpu.wait_dma2 semaphore(%run_scoped3A_30 : memref<!tpu.dma_semaphore, #tpu.memory_space<semaphore_mem>>) src(%dma_wait3A_34 : memref<5000xi32, #tpu.memory_space<hbm>>) dst(%arg7 : memref<5000xi32, #tpu.memory_space<vmem>>)
      tpu.yield
    }) : () -> ()
    "tpu.region"() ({
      %run_scoped3A_30 = tpu.sem_alloc : memref<!tpu.dma_semaphore, #tpu.memory_space<semaphore_mem>>
      %dma_start3A_31 = arith.constant 0 : i32
      %dma_start3A_32 = tpu.memref_slice %arg4[%mul3A_2, %dma_start3A_31] : memref<800x200xi32, #tpu.memory_space<hbm>> -> memref<25x200xi32, #tpu.memory_space<hbm>>
      %dma_start3A_33 = arith.constant 0 : i32
      %dma_start3A_34 = tpu.memref_slice %arg4[%mul3A_2, %dma_start3A_33] : memref<800x200xi32, #tpu.memory_space<hbm>> -> memref<25x200xi32, #tpu.memory_space<hbm>>
      tpu.enqueue_dma source(%dma_start3A_34 : memref<25x200xi32, #tpu.memory_space<hbm>>) target(%arg8 : memref<25x200xi32, #tpu.memory_space<vmem>>) target_semaphore(%run_scoped3A_30 : memref<!tpu.dma_semaphore, #tpu.memory_space<semaphore_mem>>)
      %dma_wait3A_35 = arith.constant 0 : i32
      %dma_wait3A_36 = tpu.memref_slice %arg4[%mul3A_2, %dma_wait3A_35] : memref<800x200xi32, #tpu.memory_space<hbm>> -> memref<25x200xi32, #tpu.memory_space<hbm>>
      %dma_wait3A_37 = arith.constant 0 : i32
      %dma_wait3A_38 = tpu.memref_slice %arg4[%mul3A_2, %dma_wait3A_37] : memref<800x200xi32, #tpu.memory_space<hbm>> -> memref<25x200xi32, #tpu.memory_space<hbm>>
      tpu.wait_dma2 semaphore(%run_scoped3A_30 : memref<!tpu.dma_semaphore, #tpu.memory_space<semaphore_mem>>) src(%dma_wait3A_38 : memref<25x200xi32, #tpu.memory_space<hbm>>) dst(%arg8 : memref<25x200xi32, #tpu.memory_space<vmem>>)
      tpu.yield
    }) : () -> ()
    %barrier3A = arith.constant 0 : index
    tpu.barrier barrier_id(%barrier3A)
    %dma_start3A = arith.constant 0 : i32
    %dma_start3A_13 = tpu.memref_slice %arg7[%dma_start3A] : memref<5000xi32, #tpu.memory_space<vmem>> -> memref<200xi32, #tpu.memory_space<vmem>>
    %dma_start3A_14 = arith.constant 0 : i32
    %dma_start3A_15 = arith.constant 0 : i32
    %dma_start3A_16 = tpu.memref_slice %arg11[%dma_start3A_14, %dma_start3A_15] : memref<10000x32xf32, #tpu.memory_space<vmem_shared>> -> memref<10000x32xf32, #tpu.memory_space<vmem_shared>>
    tpu.enqueue_indirect_dma source(%dma_start3A_16 : memref<10000x32xf32, #tpu.memory_space<vmem_shared>>) target(%arg9 : memref<200x32xf32, #tpu.memory_space<vmem>>) offsets(%dma_start3A_13 : memref<200xi32, #tpu.memory_space<vmem>>) semaphore(%arg13 : memref<!tpu.dma_semaphore, #tpu.memory_space<semaphore_mem>>)
    %scan3A = arith.constant 0 : i32
    %scan3A_17 = arith.constant 0 : i32
    %scan3A_18 = arith.constant 12 : i32
    %scan3A_19 = arith.addi %scan3A_17, %scan3A_18 : i32
    %scan3A_20 = arith.constant 1 : i32
    scf.for %scan3A_30 = %scan3A_17 to %scan3A_19 step %scan3A_20  : i32 {
      %mul3A_31 = arith.constant 2 : i32
      %mul3A_32 = arith.muli %mul3A_31, %scan3A_30 : i32
      %add3A_33 = arith.constant 1 : i32
      %add3A_34 = arith.addi %mul3A_32, %add3A_33 : i32
      %mul3A_35 = arith.constant 200 : i32
      %mul3A_36 = arith.muli %add3A_34, %mul3A_35 : i32
      %dma_start3A_37 = tpu.memref_slice %arg7[%mul3A_36] : memref<5000xi32, #tpu.memory_space<vmem>> -> memref<200xi32, #tpu.memory_space<vmem>>
      %dma_start3A_38 = arith.constant 0 : i32
      %dma_start3A_39 = arith.constant 0 : i32
      %dma_start3A_40 = tpu.memref_slice %arg11[%dma_start3A_38, %dma_start3A_39] : memref<10000x32xf32, #tpu.memory_space<vmem_shared>> -> memref<10000x32xf32, #tpu.memory_space<vmem_shared>>
      tpu.enqueue_indirect_dma source(%dma_start3A_40 : memref<10000x32xf32, #tpu.memory_space<vmem_shared>>) target(%arg10 : memref<200x32xf32, #tpu.memory_space<vmem>>) offsets(%dma_start3A_37 : memref<200xi32, #tpu.memory_space<vmem>>) semaphore(%arg14 : memref<!tpu.dma_semaphore, #tpu.memory_space<semaphore_mem>>)
      %dma_wait3A_41 = arith.constant 0 : i32
      %dma_wait3A_42 = arith.constant 0 : i32
      %dma_wait3A_43 = tpu.memref_slice %arg2[%dma_wait3A_41, %dma_wait3A_42] : memref<10000x32xf32, #tpu.memory_space<hbm>> -> memref<200x32xf32, #tpu.memory_space<hbm>>
      %dma_wait3A_44 = arith.constant 0 : i32
      %dma_wait3A_45 = arith.constant 0 : i32
      %dma_wait3A_46 = tpu.memref_slice %arg2[%dma_wait3A_44, %dma_wait3A_45] : memref<10000x32xf32, #tpu.memory_space<hbm>> -> memref<200x32xf32, #tpu.memory_space<hbm>>
      tpu.wait_dma2 semaphore(%arg13 : memref<!tpu.dma_semaphore, #tpu.memory_space<semaphore_mem>>) src(%dma_wait3A_46 : memref<200x32xf32, #tpu.memory_space<hbm>>) dst(%arg9 : memref<200x32xf32, #tpu.memory_space<vmem>>)
      "tpu.region"() ({
        %run_scoped3A_57 = tpu.sem_alloc : memref<!tpu.dma_semaphore, #tpu.memory_space<semaphore_mem>>
        %dma_start3A_58 = arith.constant 0 : i32
        %dma_start3A_59 = tpu.memref_slice %arg8[%mul3A_32, %dma_start3A_58] : memref<25x200xi32, #tpu.memory_space<vmem>> -> memref<1x200xi32, #tpu.memory_space<vmem>>
        %dma_start3A_60 = tpu.memref_squeeze %dma_start3A_59 : memref<1x200xi32, #tpu.memory_space<vmem>> -> memref<200xi32, #tpu.memory_space<vmem>>
        %dma_start3A_61 = arith.constant 0 : i32
        %dma_start3A_62 = arith.constant 0 : i32
        %dma_start3A_63 = tpu.memref_slice %arg12[%dma_start3A_61, %dma_start3A_62] : memref<10016x32xf32, #tpu.memory_space<vmem_shared>> -> memref<10016x32xf32, #tpu.memory_space<vmem_shared>>
        tpu.enqueue_indirect_dma source(%arg9 : memref<200x32xf32, #tpu.memory_space<vmem>>) target(%dma_start3A_63 : memref<10016x32xf32, #tpu.memory_space<vmem_shared>>) offsets(%dma_start3A_60 : memref<200xi32, #tpu.memory_space<vmem>>) semaphore(%run_scoped3A_57 : memref<!tpu.dma_semaphore, #tpu.memory_space<semaphore_mem>>) {add = true}
        %dma_wait3A_64 = arith.constant 0 : i32
        %dma_wait3A_65 = tpu.memref_slice %arg8[%mul3A_32, %dma_wait3A_64] : memref<25x200xi32, #tpu.memory_space<vmem>> -> memref<1x200xi32, #tpu.memory_space<vmem>>
        %dma_wait3A_66 = tpu.memref_squeeze %dma_wait3A_65 : memref<1x200xi32, #tpu.memory_space<vmem>> -> memref<200xi32, #tpu.memory_space<vmem>>
        %dma_wait3A_67 = arith.constant 0 : i32
        %dma_wait3A_68 = arith.constant 0 : i32
        %dma_wait3A_69 = tpu.memref_slice %arg12[%dma_wait3A_67, %dma_wait3A_68] : memref<10016x32xf32, #tpu.memory_space<vmem_shared>> -> memref<10016x32xf32, #tpu.memory_space<vmem_shared>>
        tpu.wait_indirect_dma semaphore(%run_scoped3A_57 : memref<!tpu.dma_semaphore, #tpu.memory_space<semaphore_mem>>) src(%arg9 : memref<200x32xf32, #tpu.memory_space<vmem>>) dst(%dma_wait3A_69 : memref<10016x32xf32, #tpu.memory_space<vmem_shared>>)
        tpu.yield
      }) : () -> ()
      %add3A_47 = arith.constant 2 : i32
      %add3A_48 = arith.addi %mul3A_32, %add3A_47 : i32
      %lt3A = arith.constant 25 : i32
      %lt3A_49 = arith.cmpi slt, %add3A_48, %lt3A : i32
      %convert_element_type3A_50 = arith.extui %lt3A_49 : i1 to i32
      %cond3A_51 = arith.constant 0 : i32
      %cond3A_52 = arith.cmpi ne, %convert_element_type3A_50, %cond3A_51 : i32
      scf.if %cond3A_52 {
        %mul3A_57 = arith.constant 200 : i32
        %mul3A_58 = arith.muli %add3A_48, %mul3A_57 : i32
        %dma_start3A_59 = tpu.memref_slice %arg7[%mul3A_58] : memref<5000xi32, #tpu.memory_space<vmem>> -> memref<200xi32, #tpu.memory_space<vmem>>
        %dma_start3A_60 = arith.constant 0 : i32
        %dma_start3A_61 = arith.constant 0 : i32
        %dma_start3A_62 = tpu.memref_slice %arg11[%dma_start3A_60, %dma_start3A_61] : memref<10000x32xf32, #tpu.memory_space<vmem_shared>> -> memref<10000x32xf32, #tpu.memory_space<vmem_shared>>
        tpu.enqueue_indirect_dma source(%dma_start3A_62 : memref<10000x32xf32, #tpu.memory_space<vmem_shared>>) target(%arg9 : memref<200x32xf32, #tpu.memory_space<vmem>>) offsets(%dma_start3A_59 : memref<200xi32, #tpu.memory_space<vmem>>) semaphore(%arg13 : memref<!tpu.dma_semaphore, #tpu.memory_space<semaphore_mem>>)
      } else {
      }
      %dma_wait3A_53 = tpu.memref_slice %arg7[%mul3A_36] : memref<5000xi32, #tpu.memory_space<vmem>> -> memref<200xi32, #tpu.memory_space<vmem>>
      %dma_wait3A_54 = arith.constant 0 : i32
      %dma_wait3A_55 = arith.constant 0 : i32
      %dma_wait3A_56 = tpu.memref_slice %arg11[%dma_wait3A_54, %dma_wait3A_55] : memref<10000x32xf32, #tpu.memory_space<vmem_shared>> -> memref<10000x32xf32, #tpu.memory_space<vmem_shared>>
      tpu.wait_indirect_dma semaphore(%arg14 : memref<!tpu.dma_semaphore, #tpu.memory_space<semaphore_mem>>) src(%dma_wait3A_56 : memref<10000x32xf32, #tpu.memory_space<vmem_shared>>) dst(%arg10 : memref<200x32xf32, #tpu.memory_space<vmem>>)
      "tpu.region"() ({
        %run_scoped3A_57 = tpu.sem_alloc : memref<!tpu.dma_semaphore, #tpu.memory_space<semaphore_mem>>
        %dma_start3A_58 = arith.constant 0 : i32
        %dma_start3A_59 = tpu.memref_slice %arg8[%add3A_34, %dma_start3A_58] : memref<25x200xi32, #tpu.memory_space<vmem>> -> memref<1x200xi32, #tpu.memory_space<vmem>>
        %dma_start3A_60 = tpu.memref_squeeze %dma_start3A_59 : memref<1x200xi32, #tpu.memory_space<vmem>> -> memref<200xi32, #tpu.memory_space<vmem>>
        %dma_start3A_61 = arith.constant 0 : i32
        %dma_start3A_62 = arith.constant 0 : i32
        %dma_start3A_63 = tpu.memref_slice %arg12[%dma_start3A_61, %dma_start3A_62] : memref<10016x32xf32, #tpu.memory_space<vmem_shared>> -> memref<10016x32xf32, #tpu.memory_space<vmem_shared>>
        tpu.enqueue_indirect_dma source(%arg10 : memref<200x32xf32, #tpu.memory_space<vmem>>) target(%dma_start3A_63 : memref<10016x32xf32, #tpu.memory_space<vmem_shared>>) offsets(%dma_start3A_60 : memref<200xi32, #tpu.memory_space<vmem>>) semaphore(%run_scoped3A_57 : memref<!tpu.dma_semaphore, #tpu.memory_space<semaphore_mem>>) {add = true}
        %dma_wait3A_64 = arith.constant 0 : i32
        %dma_wait3A_65 = tpu.memref_slice %arg8[%add3A_34, %dma_wait3A_64] : memref<25x200xi32, #tpu.memory_space<vmem>> -> memref<1x200xi32, #tpu.memory_space<vmem>>
        %dma_wait3A_66 = tpu.memref_squeeze %dma_wait3A_65 : memref<1x200xi32, #tpu.memory_space<vmem>> -> memref<200xi32, #tpu.memory_space<vmem>>
        %dma_wait3A_67 = arith.constant 0 : i32
        %dma_wait3A_68 = arith.constant 0 : i32
        %dma_wait3A_69 = tpu.memref_slice %arg12[%dma_wait3A_67, %dma_wait3A_68] : memref<10016x32xf32, #tpu.memory_space<vmem_shared>> -> memref<10016x32xf32, #tpu.memory_space<vmem_shared>>
        tpu.wait_indirect_dma semaphore(%run_scoped3A_57 : memref<!tpu.dma_semaphore, #tpu.memory_space<semaphore_mem>>) src(%arg10 : memref<200x32xf32, #tpu.memory_space<vmem>>) dst(%dma_wait3A_69 : memref<10016x32xf32, #tpu.memory_space<vmem_shared>>)
        tpu.yield
      }) : () -> ()
    }
    %scan3A_21 = arith.constant 12 : i32
    %dma_wait3A = arith.constant 0 : i32
    %dma_wait3A_22 = arith.constant 0 : i32
    %dma_wait3A_23 = tpu.memref_slice %arg2[%dma_wait3A, %dma_wait3A_22] : memref<10000x32xf32, #tpu.memory_space<hbm>> -> memref<200x32xf32, #tpu.memory_space<hbm>>
    %dma_wait3A_24 = arith.constant 0 : i32
    %dma_wait3A_25 = arith.constant 0 : i32
    %dma_wait3A_26 = tpu.memref_slice %arg2[%dma_wait3A_24, %dma_wait3A_25] : memref<10000x32xf32, #tpu.memory_space<hbm>> -> memref<200x32xf32, #tpu.memory_space<hbm>>
    tpu.wait_dma2 semaphore(%arg13 : memref<!tpu.dma_semaphore, #tpu.memory_space<semaphore_mem>>) src(%dma_wait3A_26 : memref<200x32xf32, #tpu.memory_space<hbm>>) dst(%arg9 : memref<200x32xf32, #tpu.memory_space<vmem>>)
    %run_scoped3A = arith.constant 24 : i32
    "tpu.region"() ({
      %run_scoped3A_30 = tpu.sem_alloc : memref<!tpu.dma_semaphore, #tpu.memory_space<semaphore_mem>>
      %dma_start3A_31 = arith.constant 0 : i32
      %dma_start3A_32 = tpu.memref_slice %arg8[%run_scoped3A, %dma_start3A_31] : memref<25x200xi32, #tpu.memory_space<vmem>> -> memref<1x200xi32, #tpu.memory_space<vmem>>
      %dma_start3A_33 = tpu.memref_squeeze %dma_start3A_32 : memref<1x200xi32, #tpu.memory_space<vmem>> -> memref<200xi32, #tpu.memory_space<vmem>>
      %dma_start3A_34 = arith.constant 0 : i32
      %dma_start3A_35 = arith.constant 0 : i32
      %dma_start3A_36 = tpu.memref_slice %arg12[%dma_start3A_34, %dma_start3A_35] : memref<10016x32xf32, #tpu.memory_space<vmem_shared>> -> memref<10016x32xf32, #tpu.memory_space<vmem_shared>>
      tpu.enqueue_indirect_dma source(%arg9 : memref<200x32xf32, #tpu.memory_space<vmem>>) target(%dma_start3A_36 : memref<10016x32xf32, #tpu.memory_space<vmem_shared>>) offsets(%dma_start3A_33 : memref<200xi32, #tpu.memory_space<vmem>>) semaphore(%run_scoped3A_30 : memref<!tpu.dma_semaphore, #tpu.memory_space<semaphore_mem>>) {add = true}
      %dma_wait3A_37 = arith.constant 0 : i32
      %dma_wait3A_38 = tpu.memref_slice %arg8[%run_scoped3A, %dma_wait3A_37] : memref<25x200xi32, #tpu.memory_space<vmem>> -> memref<1x200xi32, #tpu.memory_space<vmem>>
      %dma_wait3A_39 = tpu.memref_squeeze %dma_wait3A_38 : memref<1x200xi32, #tpu.memory_space<vmem>> -> memref<200xi32, #tpu.memory_space<vmem>>
      %dma_wait3A_40 = arith.constant 0 : i32
      %dma_wait3A_41 = arith.constant 0 : i32
      %dma_wait3A_42 = tpu.memref_slice %arg12[%dma_wait3A_40, %dma_wait3A_41] : memref<10016x32xf32, #tpu.memory_space<vmem_shared>> -> memref<10016x32xf32, #tpu.memory_space<vmem_shared>>
      tpu.wait_indirect_dma semaphore(%run_scoped3A_30 : memref<!tpu.dma_semaphore, #tpu.memory_space<semaphore_mem>>) src(%arg9 : memref<200x32xf32, #tpu.memory_space<vmem>>) dst(%dma_wait3A_42 : memref<10016x32xf32, #tpu.memory_space<vmem_shared>>)
      tpu.yield
    }) : () -> ()
    %barrier3A_27 = arith.constant 0 : index
    tpu.barrier barrier_id(%barrier3A_27)
    %eq3A = arith.constant 0 : i32
    %eq3A_28 = arith.cmpi eq, %arg1, %eq3A : i32
    %convert_element_type3A = arith.extui %eq3A_28 : i1 to i32
    %cond3A = arith.constant 0 : i32
    %cond3A_29 = arith.cmpi ne, %convert_element_type3A, %cond3A : i32
    scf.if %cond3A_29 {
      "tpu.region"() ({
        %run_scoped3A_30 = tpu.sem_alloc : memref<!tpu.dma_semaphore, #tpu.memory_space<semaphore_mem>>
        %dma_start3A_31 = arith.constant 0 : i32
        %dma_start3A_32 = arith.constant 0 : i32
        %dma_start3A_33 = tpu.memref_slice %arg6[%arg0, %dma_start3A_31, %dma_start3A_32] : memref<2x10000x32xf32, #tpu.memory_space<hbm>> -> memref<1x10000x32xf32, #tpu.memory_space<hbm>>
        %dma_start3A_34 = tpu.memref_squeeze %dma_start3A_33 : memref<1x10000x32xf32, #tpu.memory_space<hbm>> -> memref<10000x32xf32, #tpu.memory_space<hbm>>
        %dma_start3A_35 = arith.constant 0 : i32
        %dma_start3A_36 = arith.constant 0 : i32
        %dma_start3A_37 = tpu.memref_slice %arg12[%dma_start3A_35, %dma_start3A_36] : memref<10016x32xf32, #tpu.memory_space<vmem_shared>> -> memref<10000x32xf32, #tpu.memory_space<vmem_shared>>
        tpu.enqueue_dma source(%dma_start3A_37 : memref<10000x32xf32, #tpu.memory_space<vmem_shared>>) target(%dma_start3A_34 : memref<10000x32xf32, #tpu.memory_space<hbm>>) target_semaphore(%run_scoped3A_30 : memref<!tpu.dma_semaphore, #tpu.memory_space<semaphore_mem>>)
        %dma_wait3A_38 = arith.constant 0 : i32
        %dma_wait3A_39 = arith.constant 0 : i32
        %dma_wait3A_40 = tpu.memref_slice %arg6[%arg0, %dma_wait3A_38, %dma_wait3A_39] : memref<2x10000x32xf32, #tpu.memory_space<hbm>> -> memref<1x10000x32xf32, #tpu.memory_space<hbm>>
        %dma_wait3A_41 = tpu.memref_squeeze %dma_wait3A_40 : memref<1x10000x32xf32, #tpu.memory_space<hbm>> -> memref<10000x32xf32, #tpu.memory_space<hbm>>
        %dma_wait3A_42 = arith.constant 0 : i32
        %dma_wait3A_43 = arith.constant 0 : i32
        %dma_wait3A_44 = tpu.memref_slice %arg12[%dma_wait3A_42, %dma_wait3A_43] : memref<10016x32xf32, #tpu.memory_space<vmem_shared>> -> memref<10000x32xf32, #tpu.memory_space<vmem_shared>>
        tpu.wait_dma2 semaphore(%run_scoped3A_30 : memref<!tpu.dma_semaphore, #tpu.memory_space<semaphore_mem>>) src(%dma_wait3A_44 : memref<10000x32xf32, #tpu.memory_space<vmem_shared>>) dst(%dma_wait3A_41 : memref<10000x32xf32, #tpu.memory_space<hbm>>)
        tpu.yield
      }) : () -> ()
    } else {
    }
    return
  }
}

#map = affine_map<(d0, d1) -> (0, 0)>
#map1 = affine_map<(d0, d1) -> (0)>
module attributes {stable_mosaic.version = 14 : i64} {
  func.func @_deg_sc(%arg0: i32, %arg1: i32, %arg2: memref<800x200xi32, #tpu.memory_space<hbm>>, %arg3: memref<200xf32, #tpu.memory_space<hbm>>, %arg4: memref<10240xf32, #tpu.memory_space<hbm>>, %arg5: memref<2x10240xf32, #tpu.memory_space<hbm>>, %arg6: memref<25x200xi32, #tpu.memory_space<vmem>>, %arg7: memref<200xf32, #tpu.memory_space<vmem>>, %arg8: memref<10240xf32, #tpu.memory_space<vmem_shared>>, %arg9: memref<!tpu.dma_semaphore, #tpu.memory_space<semaphore_mem>>) attributes {dimension_semantics = [#tpu.dimension_semantics<core_parallel>, #tpu.dimension_semantics<subcore_parallel>], iteration_bounds = array<i64: 2, 16>, scalar_prefetch = 0 : i64, scratch_operands = 4 : i64, tpu.core_type = #tpu.core_type<sc_vector_subcore>, window_params = [{transform_indices = #map}, {transform_indices = #map1}, {transform_indices = #map1}, {transform_indices = #map}]} {
    %mul3A = arith.constant 16 : i32
    %mul3A_0 = arith.muli %arg0, %mul3A : i32
    %add3A = arith.addi %mul3A_0, %arg1 : i32
    %mul3A_1 = arith.constant 25 : i32
    %mul3A_2 = arith.muli %add3A, %mul3A_1 : i32
    %eq3A = arith.constant 0 : i32
    %eq3A_3 = arith.cmpi eq, %arg1, %eq3A : i32
    %convert_element_type3A = arith.extui %eq3A_3 : i1 to i32
    %cond3A = arith.constant 0 : i32
    %cond3A_4 = arith.cmpi ne, %convert_element_type3A, %cond3A : i32
    scf.if %cond3A_4 {
      "tpu.region"() ({
        %run_scoped3A = tpu.sem_alloc : memref<!tpu.dma_semaphore, #tpu.memory_space<semaphore_mem>>
        tpu.enqueue_dma source(%arg4 : memref<10240xf32, #tpu.memory_space<hbm>>) target(%arg8 : memref<10240xf32, #tpu.memory_space<vmem_shared>>) target_semaphore(%run_scoped3A : memref<!tpu.dma_semaphore, #tpu.memory_space<semaphore_mem>>)
        tpu.wait_dma2 semaphore(%run_scoped3A : memref<!tpu.dma_semaphore, #tpu.memory_space<semaphore_mem>>) src(%arg4 : memref<10240xf32, #tpu.memory_space<hbm>>) dst(%arg8 : memref<10240xf32, #tpu.memory_space<vmem_shared>>)
        tpu.yield
      }) : () -> ()
    } else {
    }
    "tpu.region"() ({
      %run_scoped3A = tpu.sem_alloc : memref<!tpu.dma_semaphore, #tpu.memory_space<semaphore_mem>>
      %dma_start3A = arith.constant 0 : i32
      %dma_start3A_16 = tpu.memref_slice %arg2[%mul3A_2, %dma_start3A] : memref<800x200xi32, #tpu.memory_space<hbm>> -> memref<25x200xi32, #tpu.memory_space<hbm>>
      %dma_start3A_17 = arith.constant 0 : i32
      %dma_start3A_18 = tpu.memref_slice %arg2[%mul3A_2, %dma_start3A_17] : memref<800x200xi32, #tpu.memory_space<hbm>> -> memref<25x200xi32, #tpu.memory_space<hbm>>
      tpu.enqueue_dma source(%dma_start3A_18 : memref<25x200xi32, #tpu.memory_space<hbm>>) target(%arg6 : memref<25x200xi32, #tpu.memory_space<vmem>>) target_semaphore(%run_scoped3A : memref<!tpu.dma_semaphore, #tpu.memory_space<semaphore_mem>>)
      %dma_wait3A = arith.constant 0 : i32
      %dma_wait3A_19 = tpu.memref_slice %arg2[%mul3A_2, %dma_wait3A] : memref<800x200xi32, #tpu.memory_space<hbm>> -> memref<25x200xi32, #tpu.memory_space<hbm>>
      %dma_wait3A_20 = arith.constant 0 : i32
      %dma_wait3A_21 = tpu.memref_slice %arg2[%mul3A_2, %dma_wait3A_20] : memref<800x200xi32, #tpu.memory_space<hbm>> -> memref<25x200xi32, #tpu.memory_space<hbm>>
      tpu.wait_dma2 semaphore(%run_scoped3A : memref<!tpu.dma_semaphore, #tpu.memory_space<semaphore_mem>>) src(%dma_wait3A_21 : memref<25x200xi32, #tpu.memory_space<hbm>>) dst(%arg6 : memref<25x200xi32, #tpu.memory_space<vmem>>)
      tpu.yield
    }) : () -> ()
    "tpu.region"() ({
      %run_scoped3A = tpu.sem_alloc : memref<!tpu.dma_semaphore, #tpu.memory_space<semaphore_mem>>
      tpu.enqueue_dma source(%arg3 : memref<200xf32, #tpu.memory_space<hbm>>) target(%arg7 : memref<200xf32, #tpu.memory_space<vmem>>) target_semaphore(%run_scoped3A : memref<!tpu.dma_semaphore, #tpu.memory_space<semaphore_mem>>)
      tpu.wait_dma2 semaphore(%run_scoped3A : memref<!tpu.dma_semaphore, #tpu.memory_space<semaphore_mem>>) src(%arg3 : memref<200xf32, #tpu.memory_space<hbm>>) dst(%arg7 : memref<200xf32, #tpu.memory_space<vmem>>)
      tpu.yield
    }) : () -> ()
    %barrier3A = arith.constant 0 : index
    tpu.barrier barrier_id(%barrier3A)
    %scan3A = arith.constant 0 : i32
    %scan3A_5 = arith.constant 0 : i32
    %scan3A_6 = arith.constant 25 : i32
    %scan3A_7 = arith.addi %scan3A_5, %scan3A_6 : i32
    %scan3A_8 = arith.constant 1 : i32
    scf.for %scan3A_16 = %scan3A_5 to %scan3A_7 step %scan3A_8  : i32 {
      "tpu.region"() ({
        %run_scoped3A = tpu.sem_alloc : memref<!tpu.dma_semaphore, #tpu.memory_space<semaphore_mem>>
        %dma_start3A = arith.constant 0 : i32
        %dma_start3A_17 = tpu.memref_slice %arg6[%scan3A_16, %dma_start3A] : memref<25x200xi32, #tpu.memory_space<vmem>> -> memref<1x200xi32, #tpu.memory_space<vmem>>
        %dma_start3A_18 = tpu.memref_squeeze %dma_start3A_17 : memref<1x200xi32, #tpu.memory_space<vmem>> -> memref<200xi32, #tpu.memory_space<vmem>>
        %dma_start3A_19 = arith.constant 0 : i32
        %dma_start3A_20 = tpu.memref_slice %arg8[%dma_start3A_19] : memref<10240xf32, #tpu.memory_space<vmem_shared>> -> memref<10240xf32, #tpu.memory_space<vmem_shared>>
        tpu.enqueue_indirect_dma source(%arg7 : memref<200xf32, #tpu.memory_space<vmem>>) target(%dma_start3A_20 : memref<10240xf32, #tpu.memory_space<vmem_shared>>) offsets(%dma_start3A_18 : memref<200xi32, #tpu.memory_space<vmem>>) semaphore(%run_scoped3A : memref<!tpu.dma_semaphore, #tpu.memory_space<semaphore_mem>>) {add = true}
        %dma_wait3A = arith.constant 0 : i32
        %dma_wait3A_21 = tpu.memref_slice %arg6[%scan3A_16, %dma_wait3A] : memref<25x200xi32, #tpu.memory_space<vmem>> -> memref<1x200xi32, #tpu.memory_space<vmem>>
        %dma_wait3A_22 = tpu.memref_squeeze %dma_wait3A_21 : memref<1x200xi32, #tpu.memory_space<vmem>> -> memref<200xi32, #tpu.memory_space<vmem>>
        %dma_wait3A_23 = arith.constant 0 : i32
        %dma_wait3A_24 = tpu.memref_slice %arg8[%dma_wait3A_23] : memref<10240xf32, #tpu.memory_space<vmem_shared>> -> memref<10240xf32, #tpu.memory_space<vmem_shared>>
        tpu.wait_indirect_dma semaphore(%run_scoped3A : memref<!tpu.dma_semaphore, #tpu.memory_space<semaphore_mem>>) src(%arg7 : memref<200xf32, #tpu.memory_space<vmem>>) dst(%dma_wait3A_24 : memref<10240xf32, #tpu.memory_space<vmem_shared>>)
        tpu.yield
      }) : () -> ()
    }
    %scan3A_9 = arith.constant 25 : i32
    %barrier3A_10 = arith.constant 0 : index
    tpu.barrier barrier_id(%barrier3A_10)
    %eq3A_11 = arith.constant 0 : i32
    %eq3A_12 = arith.cmpi eq, %arg1, %eq3A_11 : i32
    %convert_element_type3A_13 = arith.extui %eq3A_12 : i1 to i32
    %cond3A_14 = arith.constant 0 : i32
    %cond3A_15 = arith.cmpi ne, %convert_element_type3A_13, %cond3A_14 : i32
    scf.if %cond3A_15 {
      "tpu.region"() ({
        %run_scoped3A = tpu.sem_alloc : memref<!tpu.dma_semaphore, #tpu.memory_space<semaphore_mem>>
        %dma_start3A = arith.constant 0 : i32
        %dma_start3A_16 = tpu.memref_slice %arg5[%arg0, %dma_start3A] : memref<2x10240xf32, #tpu.memory_space<hbm>> -> memref<1x10240xf32, #tpu.memory_space<hbm>>
        %dma_start3A_17 = tpu.memref_squeeze %dma_start3A_16 : memref<1x10240xf32, #tpu.memory_space<hbm>> -> memref<10240xf32, #tpu.memory_space<hbm>>
        tpu.enqueue_dma source(%arg8 : memref<10240xf32, #tpu.memory_space<vmem_shared>>) target(%dma_start3A_17 : memref<10240xf32, #tpu.memory_space<hbm>>) target_semaphore(%run_scoped3A : memref<!tpu.dma_semaphore, #tpu.memory_space<semaphore_mem>>)
        %dma_wait3A = arith.constant 0 : i32
        %dma_wait3A_18 = tpu.memref_slice %arg5[%arg0, %dma_wait3A] : memref<2x10240xf32, #tpu.memory_space<hbm>> -> memref<1x10240xf32, #tpu.memory_space<hbm>>
        %dma_wait3A_19 = tpu.memref_squeeze %dma_wait3A_18 : memref<1x10240xf32, #tpu.memory_space<hbm>> -> memref<10240xf32, #tpu.memory_space<hbm>>
        tpu.wait_dma2 semaphore(%run_scoped3A : memref<!tpu.dma_semaphore, #tpu.memory_space<semaphore_mem>>) src(%arg8 : memref<10240xf32, #tpu.memory_space<vmem_shared>>) dst(%dma_wait3A_19 : memref<10240xf32, #tpu.memory_space<hbm>>)
        tpu.yield
      }) : () -> ()
    } else {
    }
    return
  }
}

#map = affine_map<(d0, d1) -> (0, 0)>
#map1 = affine_map<(d0, d1) -> (0)>
#map2 = affine_map<(d0, d1) -> (0, 0, 0)>
module attributes {stable_mosaic.version = 14 : i64} {
  func.func @_agg_sc(%arg0: i32, %arg1: i32, %arg2: memref<10000x32xf32, #tpu.memory_space<hbm>>, %arg3: memref<160000xi32, #tpu.memory_space<hbm>>, %arg4: memref<800x200xi32, #tpu.memory_space<hbm>>, %arg5: memref<10016x32xf32, #tpu.memory_space<hbm>>, %arg6: memref<2x10000x32xf32, #tpu.memory_space<hbm>>, %arg7: memref<5000xi32, #tpu.memory_space<vmem>>, %arg8: memref<25x200xi32, #tpu.memory_space<vmem>>, %arg9: memref<200x32xf32, #tpu.memory_space<vmem>>, %arg10: memref<200x32xf32, #tpu.memory_space<vmem>>, %arg11: memref<10000x32xf32, #tpu.memory_space<vmem_shared>>, %arg12: memref<10016x32xf32, #tpu.memory_space<vmem_shared>>, %arg13: memref<!tpu.dma_semaphore, #tpu.memory_space<semaphore_mem>>, %arg14: memref<!tpu.dma_semaphore, #tpu.memory_space<semaphore_mem>>) attributes {dimension_semantics = [#tpu.dimension_semantics<core_parallel>, #tpu.dimension_semantics<subcore_parallel>], iteration_bounds = array<i64: 2, 16>, scalar_prefetch = 0 : i64, scratch_operands = 8 : i64, tpu.core_type = #tpu.core_type<sc_vector_subcore>, window_params = [{transform_indices = #map}, {transform_indices = #map1}, {transform_indices = #map}, {transform_indices = #map}, {transform_indices = #map2}]} {
    %mul3A = arith.constant 16 : i32
    %mul3A_0 = arith.muli %arg0, %mul3A : i32
    %add3A = arith.addi %mul3A_0, %arg1 : i32
    %mul3A_1 = arith.constant 25 : i32
    %mul3A_2 = arith.muli %add3A, %mul3A_1 : i32
    %mul3A_3 = arith.constant 625 : i32
    %mul3A_4 = arith.muli %arg1, %mul3A_3 : i32
    %mul3A_5 = arith.constant 625 : i32
    %mul3A_6 = arith.muli %arg1, %mul3A_5 : i32
    "tpu.region"() ({
      %run_scoped3A_30 = tpu.sem_alloc : memref<!tpu.dma_semaphore, #tpu.memory_space<semaphore_mem>>
      %dma_start3A_31 = arith.constant 0 : i32
      %dma_start3A_32 = tpu.memref_slice %arg11[%mul3A_6, %dma_start3A_31] : memref<10000x32xf32, #tpu.memory_space<vmem_shared>> -> memref<625x32xf32, #tpu.memory_space<vmem_shared>>
      %dma_start3A_33 = arith.constant 0 : i32
      %dma_start3A_34 = tpu.memref_slice %arg2[%mul3A_4, %dma_start3A_33] : memref<10000x32xf32, #tpu.memory_space<hbm>> -> memref<625x32xf32, #tpu.memory_space<hbm>>
      tpu.enqueue_dma source(%dma_start3A_34 : memref<625x32xf32, #tpu.memory_space<hbm>>) target(%dma_start3A_32 : memref<625x32xf32, #tpu.memory_space<vmem_shared>>) target_semaphore(%run_scoped3A_30 : memref<!tpu.dma_semaphore, #tpu.memory_space<semaphore_mem>>)
      %dma_wait3A_35 = arith.constant 0 : i32
      %dma_wait3A_36 = tpu.memref_slice %arg11[%mul3A_6, %dma_wait3A_35] : memref<10000x32xf32, #tpu.memory_space<vmem_shared>> -> memref<625x32xf32, #tpu.memory_space<vmem_shared>>
      %dma_wait3A_37 = arith.constant 0 : i32
      %dma_wait3A_38 = tpu.memref_slice %arg2[%mul3A_4, %dma_wait3A_37] : memref<10000x32xf32, #tpu.memory_space<hbm>> -> memref<625x32xf32, #tpu.memory_space<hbm>>
      tpu.wait_dma2 semaphore(%run_scoped3A_30 : memref<!tpu.dma_semaphore, #tpu.memory_space<semaphore_mem>>) src(%dma_wait3A_38 : memref<625x32xf32, #tpu.memory_space<hbm>>) dst(%dma_wait3A_36 : memref<625x32xf32, #tpu.memory_space<vmem_shared>>)
      tpu.yield
    }) : () -> ()
    %mul3A_7 = arith.constant 626 : i32
    %mul3A_8 = arith.muli %arg1, %mul3A_7 : i32
    %mul3A_9 = arith.constant 626 : i32
    %mul3A_10 = arith.muli %arg1, %mul3A_9 : i32
    "tpu.region"() ({
      %run_scoped3A_30 = tpu.sem_alloc : memref<!tpu.dma_semaphore, #tpu.memory_space<semaphore_mem>>
      %dma_start3A_31 = arith.constant 0 : i32
      %dma_start3A_32 = tpu.memref_slice %arg12[%mul3A_10, %dma_start3A_31] : memref<10016x32xf32, #tpu.memory_space<vmem_shared>> -> memref<626x32xf32, #tpu.memory_space<vmem_shared>>
      %dma_start3A_33 = arith.constant 0 : i32
      %dma_start3A_34 = tpu.memref_slice %arg5[%mul3A_8, %dma_start3A_33] : memref<10016x32xf32, #tpu.memory_space<hbm>> -> memref<626x32xf32, #tpu.memory_space<hbm>>
      tpu.enqueue_dma source(%dma_start3A_34 : memref<626x32xf32, #tpu.memory_space<hbm>>) target(%dma_start3A_32 : memref<626x32xf32, #tpu.memory_space<vmem_shared>>) target_semaphore(%run_scoped3A_30 : memref<!tpu.dma_semaphore, #tpu.memory_space<semaphore_mem>>)
      %dma_wait3A_35 = arith.constant 0 : i32
      %dma_wait3A_36 = tpu.memref_slice %arg12[%mul3A_10, %dma_wait3A_35] : memref<10016x32xf32, #tpu.memory_space<vmem_shared>> -> memref<626x32xf32, #tpu.memory_space<vmem_shared>>
      %dma_wait3A_37 = arith.constant 0 : i32
      %dma_wait3A_38 = tpu.memref_slice %arg5[%mul3A_8, %dma_wait3A_37] : memref<10016x32xf32, #tpu.memory_space<hbm>> -> memref<626x32xf32, #tpu.memory_space<hbm>>
      tpu.wait_dma2 semaphore(%run_scoped3A_30 : memref<!tpu.dma_semaphore, #tpu.memory_space<semaphore_mem>>) src(%dma_wait3A_38 : memref<626x32xf32, #tpu.memory_space<hbm>>) dst(%dma_wait3A_36 : memref<626x32xf32, #tpu.memory_space<vmem_shared>>)
      tpu.yield
    }) : () -> ()
    %mul3A_11 = arith.constant 200 : i32
    %mul3A_12 = arith.muli %mul3A_2, %mul3A_11 : i32
    "tpu.region"() ({
      %run_scoped3A_30 = tpu.sem_alloc : memref<!tpu.dma_semaphore, #tpu.memory_space<semaphore_mem>>
      %dma_start3A_31 = tpu.memref_slice %arg3[%mul3A_12] : memref<160000xi32, #tpu.memory_space<hbm>> -> memref<5000xi32, #tpu.memory_space<hbm>>
      %dma_start3A_32 = tpu.memref_slice %arg3[%mul3A_12] : memref<160000xi32, #tpu.memory_space<hbm>> -> memref<5000xi32, #tpu.memory_space<hbm>>
      tpu.enqueue_dma source(%dma_start3A_32 : memref<5000xi32, #tpu.memory_space<hbm>>) target(%arg7 : memref<5000xi32, #tpu.memory_space<vmem>>) target_semaphore(%run_scoped3A_30 : memref<!tpu.dma_semaphore, #tpu.memory_space<semaphore_mem>>)
      %dma_wait3A_33 = tpu.memref_slice %arg3[%mul3A_12] : memref<160000xi32, #tpu.memory_space<hbm>> -> memref<5000xi32, #tpu.memory_space<hbm>>
      %dma_wait3A_34 = tpu.memref_slice %arg3[%mul3A_12] : memref<160000xi32, #tpu.memory_space<hbm>> -> memref<5000xi32, #tpu.memory_space<hbm>>
      tpu.wait_dma2 semaphore(%run_scoped3A_30 : memref<!tpu.dma_semaphore, #tpu.memory_space<semaphore_mem>>) src(%dma_wait3A_34 : memref<5000xi32, #tpu.memory_space<hbm>>) dst(%arg7 : memref<5000xi32, #tpu.memory_space<vmem>>)
      tpu.yield
    }) : () -> ()
    "tpu.region"() ({
      %run_scoped3A_30 = tpu.sem_alloc : memref<!tpu.dma_semaphore, #tpu.memory_space<semaphore_mem>>
      %dma_start3A_31 = arith.constant 0 : i32
      %dma_start3A_32 = tpu.memref_slice %arg4[%mul3A_2, %dma_start3A_31] : memref<800x200xi32, #tpu.memory_space<hbm>> -> memref<25x200xi32, #tpu.memory_space<hbm>>
      %dma_start3A_33 = arith.constant 0 : i32
      %dma_start3A_34 = tpu.memref_slice %arg4[%mul3A_2, %dma_start3A_33] : memref<800x200xi32, #tpu.memory_space<hbm>> -> memref<25x200xi32, #tpu.memory_space<hbm>>
      tpu.enqueue_dma source(%dma_start3A_34 : memref<25x200xi32, #tpu.memory_space<hbm>>) target(%arg8 : memref<25x200xi32, #tpu.memory_space<vmem>>) target_semaphore(%run_scoped3A_30 : memref<!tpu.dma_semaphore, #tpu.memory_space<semaphore_mem>>)
      %dma_wait3A_35 = arith.constant 0 : i32
      %dma_wait3A_36 = tpu.memref_slice %arg4[%mul3A_2, %dma_wait3A_35] : memref<800x200xi32, #tpu.memory_space<hbm>> -> memref<25x200xi32, #tpu.memory_space<hbm>>
      %dma_wait3A_37 = arith.constant 0 : i32
      %dma_wait3A_38 = tpu.memref_slice %arg4[%mul3A_2, %dma_wait3A_37] : memref<800x200xi32, #tpu.memory_space<hbm>> -> memref<25x200xi32, #tpu.memory_space<hbm>>
      tpu.wait_dma2 semaphore(%run_scoped3A_30 : memref<!tpu.dma_semaphore, #tpu.memory_space<semaphore_mem>>) src(%dma_wait3A_38 : memref<25x200xi32, #tpu.memory_space<hbm>>) dst(%arg8 : memref<25x200xi32, #tpu.memory_space<vmem>>)
      tpu.yield
    }) : () -> ()
    %barrier3A = arith.constant 0 : index
    tpu.barrier barrier_id(%barrier3A)
    %dma_start3A = arith.constant 0 : i32
    %dma_start3A_13 = tpu.memref_slice %arg7[%dma_start3A] : memref<5000xi32, #tpu.memory_space<vmem>> -> memref<200xi32, #tpu.memory_space<vmem>>
    %dma_start3A_14 = arith.constant 0 : i32
    %dma_start3A_15 = arith.constant 0 : i32
    %dma_start3A_16 = tpu.memref_slice %arg11[%dma_start3A_14, %dma_start3A_15] : memref<10000x32xf32, #tpu.memory_space<vmem_shared>> -> memref<10000x32xf32, #tpu.memory_space<vmem_shared>>
    tpu.enqueue_indirect_dma source(%dma_start3A_16 : memref<10000x32xf32, #tpu.memory_space<vmem_shared>>) target(%arg9 : memref<200x32xf32, #tpu.memory_space<vmem>>) offsets(%dma_start3A_13 : memref<200xi32, #tpu.memory_space<vmem>>) semaphore(%arg13 : memref<!tpu.dma_semaphore, #tpu.memory_space<semaphore_mem>>)
    %scan3A = arith.constant 0 : i32
    %scan3A_17 = arith.constant 0 : i32
    %scan3A_18 = arith.constant 12 : i32
    %scan3A_19 = arith.addi %scan3A_17, %scan3A_18 : i32
    %scan3A_20 = arith.constant 1 : i32
    scf.for %scan3A_30 = %scan3A_17 to %scan3A_19 step %scan3A_20  : i32 {
      %mul3A_31 = arith.constant 2 : i32
      %mul3A_32 = arith.muli %mul3A_31, %scan3A_30 : i32
      %add3A_33 = arith.constant 1 : i32
      %add3A_34 = arith.addi %mul3A_32, %add3A_33 : i32
      %mul3A_35 = arith.constant 200 : i32
      %mul3A_36 = arith.muli %add3A_34, %mul3A_35 : i32
      %dma_start3A_37 = tpu.memref_slice %arg7[%mul3A_36] : memref<5000xi32, #tpu.memory_space<vmem>> -> memref<200xi32, #tpu.memory_space<vmem>>
      %dma_start3A_38 = arith.constant 0 : i32
      %dma_start3A_39 = arith.constant 0 : i32
      %dma_start3A_40 = tpu.memref_slice %arg11[%dma_start3A_38, %dma_start3A_39] : memref<10000x32xf32, #tpu.memory_space<vmem_shared>> -> memref<10000x32xf32, #tpu.memory_space<vmem_shared>>
      tpu.enqueue_indirect_dma source(%dma_start3A_40 : memref<10000x32xf32, #tpu.memory_space<vmem_shared>>) target(%arg10 : memref<200x32xf32, #tpu.memory_space<vmem>>) offsets(%dma_start3A_37 : memref<200xi32, #tpu.memory_space<vmem>>) semaphore(%arg14 : memref<!tpu.dma_semaphore, #tpu.memory_space<semaphore_mem>>)
      %dma_wait3A_41 = arith.constant 0 : i32
      %dma_wait3A_42 = arith.constant 0 : i32
      %dma_wait3A_43 = tpu.memref_slice %arg2[%dma_wait3A_41, %dma_wait3A_42] : memref<10000x32xf32, #tpu.memory_space<hbm>> -> memref<200x32xf32, #tpu.memory_space<hbm>>
      %dma_wait3A_44 = arith.constant 0 : i32
      %dma_wait3A_45 = arith.constant 0 : i32
      %dma_wait3A_46 = tpu.memref_slice %arg2[%dma_wait3A_44, %dma_wait3A_45] : memref<10000x32xf32, #tpu.memory_space<hbm>> -> memref<200x32xf32, #tpu.memory_space<hbm>>
      tpu.wait_dma2 semaphore(%arg13 : memref<!tpu.dma_semaphore, #tpu.memory_space<semaphore_mem>>) src(%dma_wait3A_46 : memref<200x32xf32, #tpu.memory_space<hbm>>) dst(%arg9 : memref<200x32xf32, #tpu.memory_space<vmem>>)
      "tpu.region"() ({
        %run_scoped3A_57 = tpu.sem_alloc : memref<!tpu.dma_semaphore, #tpu.memory_space<semaphore_mem>>
        %dma_start3A_58 = arith.constant 0 : i32
        %dma_start3A_59 = tpu.memref_slice %arg8[%mul3A_32, %dma_start3A_58] : memref<25x200xi32, #tpu.memory_space<vmem>> -> memref<1x200xi32, #tpu.memory_space<vmem>>
        %dma_start3A_60 = tpu.memref_squeeze %dma_start3A_59 : memref<1x200xi32, #tpu.memory_space<vmem>> -> memref<200xi32, #tpu.memory_space<vmem>>
        %dma_start3A_61 = arith.constant 0 : i32
        %dma_start3A_62 = arith.constant 0 : i32
        %dma_start3A_63 = tpu.memref_slice %arg12[%dma_start3A_61, %dma_start3A_62] : memref<10016x32xf32, #tpu.memory_space<vmem_shared>> -> memref<10016x32xf32, #tpu.memory_space<vmem_shared>>
        tpu.enqueue_indirect_dma source(%arg9 : memref<200x32xf32, #tpu.memory_space<vmem>>) target(%dma_start3A_63 : memref<10016x32xf32, #tpu.memory_space<vmem_shared>>) offsets(%dma_start3A_60 : memref<200xi32, #tpu.memory_space<vmem>>) semaphore(%run_scoped3A_57 : memref<!tpu.dma_semaphore, #tpu.memory_space<semaphore_mem>>) {add = true}
        %dma_wait3A_64 = arith.constant 0 : i32
        %dma_wait3A_65 = tpu.memref_slice %arg8[%mul3A_32, %dma_wait3A_64] : memref<25x200xi32, #tpu.memory_space<vmem>> -> memref<1x200xi32, #tpu.memory_space<vmem>>
        %dma_wait3A_66 = tpu.memref_squeeze %dma_wait3A_65 : memref<1x200xi32, #tpu.memory_space<vmem>> -> memref<200xi32, #tpu.memory_space<vmem>>
        %dma_wait3A_67 = arith.constant 0 : i32
        %dma_wait3A_68 = arith.constant 0 : i32
        %dma_wait3A_69 = tpu.memref_slice %arg12[%dma_wait3A_67, %dma_wait3A_68] : memref<10016x32xf32, #tpu.memory_space<vmem_shared>> -> memref<10016x32xf32, #tpu.memory_space<vmem_shared>>
        tpu.wait_indirect_dma semaphore(%run_scoped3A_57 : memref<!tpu.dma_semaphore, #tpu.memory_space<semaphore_mem>>) src(%arg9 : memref<200x32xf32, #tpu.memory_space<vmem>>) dst(%dma_wait3A_69 : memref<10016x32xf32, #tpu.memory_space<vmem_shared>>)
        tpu.yield
      }) : () -> ()
      %add3A_47 = arith.constant 2 : i32
      %add3A_48 = arith.addi %mul3A_32, %add3A_47 : i32
      %lt3A = arith.constant 25 : i32
      %lt3A_49 = arith.cmpi slt, %add3A_48, %lt3A : i32
      %convert_element_type3A_50 = arith.extui %lt3A_49 : i1 to i32
      %cond3A_51 = arith.constant 0 : i32
      %cond3A_52 = arith.cmpi ne, %convert_element_type3A_50, %cond3A_51 : i32
      scf.if %cond3A_52 {
        %mul3A_57 = arith.constant 200 : i32
        %mul3A_58 = arith.muli %add3A_48, %mul3A_57 : i32
        %dma_start3A_59 = tpu.memref_slice %arg7[%mul3A_58] : memref<5000xi32, #tpu.memory_space<vmem>> -> memref<200xi32, #tpu.memory_space<vmem>>
        %dma_start3A_60 = arith.constant 0 : i32
        %dma_start3A_61 = arith.constant 0 : i32
        %dma_start3A_62 = tpu.memref_slice %arg11[%dma_start3A_60, %dma_start3A_61] : memref<10000x32xf32, #tpu.memory_space<vmem_shared>> -> memref<10000x32xf32, #tpu.memory_space<vmem_shared>>
        tpu.enqueue_indirect_dma source(%dma_start3A_62 : memref<10000x32xf32, #tpu.memory_space<vmem_shared>>) target(%arg9 : memref<200x32xf32, #tpu.memory_space<vmem>>) offsets(%dma_start3A_59 : memref<200xi32, #tpu.memory_space<vmem>>) semaphore(%arg13 : memref<!tpu.dma_semaphore, #tpu.memory_space<semaphore_mem>>)
      } else {
      }
      %dma_wait3A_53 = tpu.memref_slice %arg7[%mul3A_36] : memref<5000xi32, #tpu.memory_space<vmem>> -> memref<200xi32, #tpu.memory_space<vmem>>
      %dma_wait3A_54 = arith.constant 0 : i32
      %dma_wait3A_55 = arith.constant 0 : i32
      %dma_wait3A_56 = tpu.memref_slice %arg11[%dma_wait3A_54, %dma_wait3A_55] : memref<10000x32xf32, #tpu.memory_space<vmem_shared>> -> memref<10000x32xf32, #tpu.memory_space<vmem_shared>>
      tpu.wait_indirect_dma semaphore(%arg14 : memref<!tpu.dma_semaphore, #tpu.memory_space<semaphore_mem>>) src(%dma_wait3A_56 : memref<10000x32xf32, #tpu.memory_space<vmem_shared>>) dst(%arg10 : memref<200x32xf32, #tpu.memory_space<vmem>>)
      "tpu.region"() ({
        %run_scoped3A_57 = tpu.sem_alloc : memref<!tpu.dma_semaphore, #tpu.memory_space<semaphore_mem>>
        %dma_start3A_58 = arith.constant 0 : i32
        %dma_start3A_59 = tpu.memref_slice %arg8[%add3A_34, %dma_start3A_58] : memref<25x200xi32, #tpu.memory_space<vmem>> -> memref<1x200xi32, #tpu.memory_space<vmem>>
        %dma_start3A_60 = tpu.memref_squeeze %dma_start3A_59 : memref<1x200xi32, #tpu.memory_space<vmem>> -> memref<200xi32, #tpu.memory_space<vmem>>
        %dma_start3A_61 = arith.constant 0 : i32
        %dma_start3A_62 = arith.constant 0 : i32
        %dma_start3A_63 = tpu.memref_slice %arg12[%dma_start3A_61, %dma_start3A_62] : memref<10016x32xf32, #tpu.memory_space<vmem_shared>> -> memref<10016x32xf32, #tpu.memory_space<vmem_shared>>
        tpu.enqueue_indirect_dma source(%arg10 : memref<200x32xf32, #tpu.memory_space<vmem>>) target(%dma_start3A_63 : memref<10016x32xf32, #tpu.memory_space<vmem_shared>>) offsets(%dma_start3A_60 : memref<200xi32, #tpu.memory_space<vmem>>) semaphore(%run_scoped3A_57 : memref<!tpu.dma_semaphore, #tpu.memory_space<semaphore_mem>>) {add = true}
        %dma_wait3A_64 = arith.constant 0 : i32
        %dma_wait3A_65 = tpu.memref_slice %arg8[%add3A_34, %dma_wait3A_64] : memref<25x200xi32, #tpu.memory_space<vmem>> -> memref<1x200xi32, #tpu.memory_space<vmem>>
        %dma_wait3A_66 = tpu.memref_squeeze %dma_wait3A_65 : memref<1x200xi32, #tpu.memory_space<vmem>> -> memref<200xi32, #tpu.memory_space<vmem>>
        %dma_wait3A_67 = arith.constant 0 : i32
        %dma_wait3A_68 = arith.constant 0 : i32
        %dma_wait3A_69 = tpu.memref_slice %arg12[%dma_wait3A_67, %dma_wait3A_68] : memref<10016x32xf32, #tpu.memory_space<vmem_shared>> -> memref<10016x32xf32, #tpu.memory_space<vmem_shared>>
        tpu.wait_indirect_dma semaphore(%run_scoped3A_57 : memref<!tpu.dma_semaphore, #tpu.memory_space<semaphore_mem>>) src(%arg10 : memref<200x32xf32, #tpu.memory_space<vmem>>) dst(%dma_wait3A_69 : memref<10016x32xf32, #tpu.memory_space<vmem_shared>>)
        tpu.yield
      }) : () -> ()
    }
    %scan3A_21 = arith.constant 12 : i32
    %dma_wait3A = arith.constant 0 : i32
    %dma_wait3A_22 = arith.constant 0 : i32
    %dma_wait3A_23 = tpu.memref_slice %arg2[%dma_wait3A, %dma_wait3A_22] : memref<10000x32xf32, #tpu.memory_space<hbm>> -> memref<200x32xf32, #tpu.memory_space<hbm>>
    %dma_wait3A_24 = arith.constant 0 : i32
    %dma_wait3A_25 = arith.constant 0 : i32
    %dma_wait3A_26 = tpu.memref_slice %arg2[%dma_wait3A_24, %dma_wait3A_25] : memref<10000x32xf32, #tpu.memory_space<hbm>> -> memref<200x32xf32, #tpu.memory_space<hbm>>
    tpu.wait_dma2 semaphore(%arg13 : memref<!tpu.dma_semaphore, #tpu.memory_space<semaphore_mem>>) src(%dma_wait3A_26 : memref<200x32xf32, #tpu.memory_space<hbm>>) dst(%arg9 : memref<200x32xf32, #tpu.memory_space<vmem>>)
    %run_scoped3A = arith.constant 24 : i32
    "tpu.region"() ({
      %run_scoped3A_30 = tpu.sem_alloc : memref<!tpu.dma_semaphore, #tpu.memory_space<semaphore_mem>>
      %dma_start3A_31 = arith.constant 0 : i32
      %dma_start3A_32 = tpu.memref_slice %arg8[%run_scoped3A, %dma_start3A_31] : memref<25x200xi32, #tpu.memory_space<vmem>> -> memref<1x200xi32, #tpu.memory_space<vmem>>
      %dma_start3A_33 = tpu.memref_squeeze %dma_start3A_32 : memref<1x200xi32, #tpu.memory_space<vmem>> -> memref<200xi32, #tpu.memory_space<vmem>>
      %dma_start3A_34 = arith.constant 0 : i32
      %dma_start3A_35 = arith.constant 0 : i32
      %dma_start3A_36 = tpu.memref_slice %arg12[%dma_start3A_34, %dma_start3A_35] : memref<10016x32xf32, #tpu.memory_space<vmem_shared>> -> memref<10016x32xf32, #tpu.memory_space<vmem_shared>>
      tpu.enqueue_indirect_dma source(%arg9 : memref<200x32xf32, #tpu.memory_space<vmem>>) target(%dma_start3A_36 : memref<10016x32xf32, #tpu.memory_space<vmem_shared>>) offsets(%dma_start3A_33 : memref<200xi32, #tpu.memory_space<vmem>>) semaphore(%run_scoped3A_30 : memref<!tpu.dma_semaphore, #tpu.memory_space<semaphore_mem>>) {add = true}
      %dma_wait3A_37 = arith.constant 0 : i32
      %dma_wait3A_38 = tpu.memref_slice %arg8[%run_scoped3A, %dma_wait3A_37] : memref<25x200xi32, #tpu.memory_space<vmem>> -> memref<1x200xi32, #tpu.memory_space<vmem>>
      %dma_wait3A_39 = tpu.memref_squeeze %dma_wait3A_38 : memref<1x200xi32, #tpu.memory_space<vmem>> -> memref<200xi32, #tpu.memory_space<vmem>>
      %dma_wait3A_40 = arith.constant 0 : i32
      %dma_wait3A_41 = arith.constant 0 : i32
      %dma_wait3A_42 = tpu.memref_slice %arg12[%dma_wait3A_40, %dma_wait3A_41] : memref<10016x32xf32, #tpu.memory_space<vmem_shared>> -> memref<10016x32xf32, #tpu.memory_space<vmem_shared>>
      tpu.wait_indirect_dma semaphore(%run_scoped3A_30 : memref<!tpu.dma_semaphore, #tpu.memory_space<semaphore_mem>>) src(%arg9 : memref<200x32xf32, #tpu.memory_space<vmem>>) dst(%dma_wait3A_42 : memref<10016x32xf32, #tpu.memory_space<vmem_shared>>)
      tpu.yield
    }) : () -> ()
    %barrier3A_27 = arith.constant 0 : index
    tpu.barrier barrier_id(%barrier3A_27)
    %eq3A = arith.constant 0 : i32
    %eq3A_28 = arith.cmpi eq, %arg1, %eq3A : i32
    %convert_element_type3A = arith.extui %eq3A_28 : i1 to i32
    %cond3A = arith.constant 0 : i32
    %cond3A_29 = arith.cmpi ne, %convert_element_type3A, %cond3A : i32
    scf.if %cond3A_29 {
      "tpu.region"() ({
        %run_scoped3A_30 = tpu.sem_alloc : memref<!tpu.dma_semaphore, #tpu.memory_space<semaphore_mem>>
        %dma_start3A_31 = arith.constant 0 : i32
        %dma_start3A_32 = arith.constant 0 : i32
        %dma_start3A_33 = tpu.memref_slice %arg6[%arg0, %dma_start3A_31, %dma_start3A_32] : memref<2x10000x32xf32, #tpu.memory_space<hbm>> -> memref<1x10000x32xf32, #tpu.memory_space<hbm>>
        %dma_start3A_34 = tpu.memref_squeeze %dma_start3A_33 : memref<1x10000x32xf32, #tpu.memory_space<hbm>> -> memref<10000x32xf32, #tpu.memory_space<hbm>>
        %dma_start3A_35 = arith.constant 0 : i32
        %dma_start3A_36 = arith.constant 0 : i32
        %dma_start3A_37 = tpu.memref_slice %arg12[%dma_start3A_35, %dma_start3A_36] : memref<10016x32xf32, #tpu.memory_space<vmem_shared>> -> memref<10000x32xf32, #tpu.memory_space<vmem_shared>>
        tpu.enqueue_dma source(%dma_start3A_37 : memref<10000x32xf32, #tpu.memory_space<vmem_shared>>) target(%dma_start3A_34 : memref<10000x32xf32, #tpu.memory_space<hbm>>) target_semaphore(%run_scoped3A_30 : memref<!tpu.dma_semaphore, #tpu.memory_space<semaphore_mem>>)
        %dma_wait3A_38 = arith.constant 0 : i32
        %dma_wait3A_39 = arith.constant 0 : i32
        %dma_wait3A_40 = tpu.memref_slice %arg6[%arg0, %dma_wait3A_38, %dma_wait3A_39] : memref<2x10000x32xf32, #tpu.memory_space<hbm>> -> memref<1x10000x32xf32, #tpu.memory_space<hbm>>
        %dma_wait3A_41 = tpu.memref_squeeze %dma_wait3A_40 : memref<1x10000x32xf32, #tpu.memory_space<hbm>> -> memref<10000x32xf32, #tpu.memory_space<hbm>>
        %dma_wait3A_42 = arith.constant 0 : i32
        %dma_wait3A_43 = arith.constant 0 : i32
        %dma_wait3A_44 = tpu.memref_slice %arg12[%dma_wait3A_42, %dma_wait3A_43] : memref<10016x32xf32, #tpu.memory_space<vmem_shared>> -> memref<10000x32xf32, #tpu.memory_space<vmem_shared>>
        tpu.wait_dma2 semaphore(%run_scoped3A_30 : memref<!tpu.dma_semaphore, #tpu.memory_space<semaphore_mem>>) src(%dma_wait3A_44 : memref<10000x32xf32, #tpu.memory_space<vmem_shared>>) dst(%dma_wait3A_41 : memref<10000x32xf32, #tpu.memory_space<hbm>>)
        tpu.yield
      }) : () -> ()
    } else {
    }
    return
  }
}

module attributes {stable_mosaic.version = 14 : i64} {
  func.func @_glue1_body(%arg0: memref<10000x128xf32, #tpu.memory_space<vmem>>, %arg1: memref<128x32xf32, #tpu.memory_space<vmem>>, %arg2: memref<10000x1xf32, #tpu.memory_space<vmem>>, %arg3: memref<10000x32xf32, #tpu.memory_space<vmem>>) attributes {dimension_semantics = [], scalar_prefetch = 0 : i64, scratch_operands = 0 : i64, tpu.core_type = #tpu.core_type<tc>} {
    %get3A = arith.constant 0 : index
    %get3A_0 = arith.constant 0 : index
    %get3A_1 = vector.load %arg2[%get3A, %get3A_0] : memref<10000x1xf32, #tpu.memory_space<vmem>>, vector<10000x1xf32>
    %add3A = arith.constant 1.000000e+00 : f32
    %add3A_2 = vector.broadcast %add3A : f32 to vector<10000x1xf32>
    %add3A_3 = arith.addf %get3A_1, %add3A_2 : vector<10000x1xf32>
    %rsqrt3A = math.rsqrt %add3A_3 : vector<10000x1xf32>
    %get3A_4 = arith.constant 0 : index
    %get3A_5 = arith.constant 0 : index
    %get3A_6 = vector.load %arg0[%get3A_4, %get3A_5] : memref<10000x128xf32, #tpu.memory_space<vmem>>, vector<10000x128xf32>
    %get3A_7 = arith.constant 0 : index
    %get3A_8 = arith.constant 0 : index
    %get3A_9 = vector.load %arg1[%get3A_7, %get3A_8] : memref<128x32xf32, #tpu.memory_space<vmem>>, vector<128x32xf32>
    %dot_general3A = arith.constant dense<0.000000e+00> : vector<10000x32xf32>
    %dot_general3A_10 = tpu.matmul %get3A_6, %get3A_9, %dot_general3A {dimension_numbers = #tpu.dot_dimension_numbers<[1], [0], [0], [1], [0, 0, 1, 1], [], []>, transpose_lhs_hint = false} : vector<10000x128xf32>, vector<128x32xf32>, vector<10000x32xf32> -> vector<10000x32xf32>
    %mul3A = vector.broadcast %rsqrt3A : vector<10000x1xf32> to vector<10000x32xf32>
    %mul3A_11 = arith.mulf %dot_general3A_10, %mul3A : vector<10000x32xf32>
    %swap3A = arith.constant 0 : index
    %swap3A_12 = arith.constant 0 : index
    %swap3A_13 = vector.load %arg3[%swap3A, %swap3A_12] : memref<10000x32xf32, #tpu.memory_space<vmem>>, vector<10000x32xf32>
    tpu.vector_store %arg3[%swap3A, %swap3A_12], %mul3A_11 {strides = array<i32>} : memref<10000x32xf32, #tpu.memory_space<vmem>>, vector<10000x32xf32>,
    return
  }
}

module attributes {stable_mosaic.version = 14 : i64} {
  func.func @_foldA_body(%arg0: i32, %arg1: memref<400x10000xf32, #tpu.memory_space<vmem>>, %arg2: memref<10000x32xf32, #tpu.memory_space<vmem>>, %arg3: memref<1x32xf32, #tpu.memory_space<vmem>>, %arg4: memref<400x32xf32, #tpu.memory_space<vmem>>) attributes {dimension_semantics = [#tpu.dimension_semantics<parallel>], iteration_bounds = array<i64: 25>, scalar_prefetch = 0 : i64, scratch_operands = 0 : i64, tpu.core_type = #tpu.core_type<tc>, window_params = [{transform_indices = @transform_0, window_bounds = array<i64: 400, 10000>}, {pipeline_mode = #tpu.pipeline_mode<synchronous>, transform_indices = @transform_1, window_bounds = array<i64: 10000, 32>}, {pipeline_mode = #tpu.pipeline_mode<synchronous>, transform_indices = @transform_2, window_bounds = array<i64: 1, 32>}, {transform_indices = @transform_3, window_bounds = array<i64: 400, 32>}]} {
    %get3A = arith.constant 0 : index
    %get3A_0 = arith.constant 0 : index
    %get3A_1 = vector.load %arg1[%get3A, %get3A_0] : memref<400x10000xf32, #tpu.memory_space<vmem>>, vector<400x10000xf32>
    %get3A_2 = arith.constant 0 : index
    %get3A_3 = arith.constant 0 : index
    %get3A_4 = vector.load %arg2[%get3A_2, %get3A_3] : memref<10000x32xf32, #tpu.memory_space<vmem>>, vector<10000x32xf32>
    %dot_general3A = arith.constant dense<0.000000e+00> : vector<400x32xf32>
    %dot_general3A_5 = tpu.matmul %get3A_1, %get3A_4, %dot_general3A {dimension_numbers = #tpu.dot_dimension_numbers<[1], [0], [0], [1], [0, 0, 1, 1], [], []>, transpose_lhs_hint = false} : vector<400x10000xf32>, vector<10000x32xf32>, vector<400x32xf32> -> vector<400x32xf32>
    %get3A_6 = arith.constant 0 : index
    %get3A_7 = arith.constant 0 : index
    %get3A_8 = vector.load %arg3[%get3A_6, %get3A_7] : memref<1x32xf32, #tpu.memory_space<vmem>>, vector<1x32xf32>
    %add3A = vector.broadcast %get3A_8 : vector<1x32xf32> to vector<400x32xf32>
    %add3A_9 = arith.addf %dot_general3A_5, %add3A : vector<400x32xf32>
    %swap3A = arith.constant 0 : index
    %swap3A_10 = arith.constant 0 : index
    %swap3A_11 = vector.load %arg4[%swap3A, %swap3A_10] : memref<400x32xf32, #tpu.memory_space<vmem>>, vector<400x32xf32>
    tpu.vector_store %arg4[%swap3A, %swap3A_10], %add3A_9 {strides = array<i32>} : memref<400x32xf32, #tpu.memory_space<vmem>>, vector<400x32xf32>,
    return
  }
  func.func @transform_0(%arg0: i32) -> (i32, i32) {
    %c0_i32 = arith.constant 0 : i32
    %c0_i32_0 = arith.constant 0 : i32
    return %arg0, %c0_i32 : i32, i32
  }
  func.func @transform_1(%arg0: i32) -> (i32, i32) {
    %c0_i32 = arith.constant 0 : i32
    %c0_i32_0 = arith.constant 0 : i32
    %c0_i32_1 = arith.constant 0 : i32
    return %c0_i32, %c0_i32_0 : i32, i32
  }
  func.func @transform_2(%arg0: i32) -> (i32, i32) {
    %c0_i32 = arith.constant 0 : i32
    %c0_i32_0 = arith.constant 0 : i32
    %c0_i32_1 = arith.constant 0 : i32
    return %c0_i32, %c0_i32_0 : i32, i32
  }
  func.func @transform_3(%arg0: i32) -> (i32, i32) {
    %c0_i32 = arith.constant 0 : i32
    %c0_i32_0 = arith.constant 0 : i32
    return %arg0, %c0_i32 : i32, i32
  }
}

module attributes {stable_mosaic.version = 14 : i64} {
  func.func @_glue2_body(%arg0: memref<10000x32xf32, #tpu.memory_space<vmem>>, %arg1: memref<10000x32xf32, #tpu.memory_space<vmem>>, %arg2: memref<10000x32xf32, #tpu.memory_space<vmem>>, %arg3: memref<10000x1xf32, #tpu.memory_space<vmem>>, %arg4: memref<1x32xf32, #tpu.memory_space<vmem>>, %arg5: memref<1x32xf32, #tpu.memory_space<vmem>>, %arg6: memref<1x32xf32, #tpu.memory_space<vmem>>, %arg7: memref<10000x32xf32, #tpu.memory_space<vmem>>, %arg8: memref<32x32xf32, #tpu.memory_space<vmem>>, %arg9: memref<10000x32xf32, #tpu.memory_space<vmem>>, %arg10: memref<10000x32xf32, #tpu.memory_space<vmem>>) attributes {dimension_semantics = [], scalar_prefetch = 0 : i64, scratch_operands = 0 : i64, tpu.core_type = #tpu.core_type<tc>} {
    %get3A = arith.constant 0 : index
    %get3A_0 = arith.constant 0 : index
    %get3A_1 = vector.load %arg3[%get3A, %get3A_0] : memref<10000x1xf32, #tpu.memory_space<vmem>>, vector<10000x1xf32>
    %add3A = arith.constant 1.000000e+00 : f32
    %add3A_2 = vector.broadcast %add3A : f32 to vector<10000x1xf32>
    %add3A_3 = arith.addf %get3A_1, %add3A_2 : vector<10000x1xf32>
    %rsqrt3A = math.rsqrt %add3A_3 : vector<10000x1xf32>
    %get3A_4 = arith.constant 0 : index
    %get3A_5 = arith.constant 0 : index
    %get3A_6 = vector.load %arg0[%get3A_4, %get3A_5] : memref<10000x32xf32, #tpu.memory_space<vmem>>, vector<10000x32xf32>
    %get3A_7 = arith.constant 0 : index
    %get3A_8 = arith.constant 0 : index
    %get3A_9 = vector.load %arg1[%get3A_7, %get3A_8] : memref<10000x32xf32, #tpu.memory_space<vmem>>, vector<10000x32xf32>
    %add3A_10 = arith.addf %get3A_6, %get3A_9 : vector<10000x32xf32>
    %get3A_11 = arith.constant 0 : index
    %get3A_12 = arith.constant 0 : index
    %get3A_13 = vector.load %arg2[%get3A_11, %get3A_12] : memref<10000x32xf32, #tpu.memory_space<vmem>>, vector<10000x32xf32>
    %add3A_14 = arith.addf %add3A_10, %get3A_13 : vector<10000x32xf32>
    %mul3A = vector.broadcast %rsqrt3A : vector<10000x1xf32> to vector<10000x32xf32>
    %mul3A_15 = arith.mulf %mul3A, %add3A_14 : vector<10000x32xf32>
    %get3A_16 = arith.constant 0 : index
    %get3A_17 = arith.constant 0 : index
    %get3A_18 = vector.load %arg4[%get3A_16, %get3A_17] : memref<1x32xf32, #tpu.memory_space<vmem>>, vector<1x32xf32>
    %add3A_19 = vector.broadcast %get3A_18 : vector<1x32xf32> to vector<10000x32xf32>
    %add3A_20 = arith.addf %mul3A_15, %add3A_19 : vector<10000x32xf32>
    %get3A_21 = arith.constant 0 : index
    %get3A_22 = arith.constant 0 : index
    %get3A_23 = vector.load %arg5[%get3A_21, %get3A_22] : memref<1x32xf32, #tpu.memory_space<vmem>>, vector<1x32xf32>
    %get3A_24 = arith.constant 0 : index
    %get3A_25 = arith.constant 0 : index
    %get3A_26 = vector.load %arg6[%get3A_24, %get3A_25] : memref<1x32xf32, #tpu.memory_space<vmem>>, vector<1x32xf32>
    %reduce_sum3A = arith.constant dense<0.000000e+00> : vector<32xf32>
    %reduce_sum3A_27 = vector.multi_reduction <add>, %add3A_20, %reduce_sum3A [0] : vector<10000x32xf32> to vector<32xf32>
    %broadcast_in_dim3A = vector.shape_cast %reduce_sum3A_27 : vector<32xf32> to vector<1x32xf32>
    %div3A = arith.constant 1.000000e+04 : f32
    %div3A_28 = vector.broadcast %div3A : f32 to vector<1x32xf32>
    %div3A_29 = arith.divf %broadcast_in_dim3A, %div3A_28 : vector<1x32xf32>
    %sub3A = vector.broadcast %div3A_29 : vector<1x32xf32> to vector<10000x32xf32>
    %sub3A_30 = arith.subf %add3A_20, %sub3A : vector<10000x32xf32>
    %integer_pow3A = arith.mulf %sub3A_30, %sub3A_30 : vector<10000x32xf32>
    %reduce_sum3A_31 = arith.constant dense<0.000000e+00> : vector<32xf32>
    %reduce_sum3A_32 = vector.multi_reduction <add>, %integer_pow3A, %reduce_sum3A_31 [0] : vector<10000x32xf32> to vector<32xf32>
    %broadcast_in_dim3A_33 = vector.shape_cast %reduce_sum3A_32 : vector<32xf32> to vector<1x32xf32>
    %div3A_34 = arith.constant 1.000000e+04 : f32
    %div3A_35 = vector.broadcast %div3A_34 : f32 to vector<1x32xf32>
    %div3A_36 = arith.divf %broadcast_in_dim3A_33, %div3A_35 : vector<1x32xf32>
    %sub3A_37 = vector.broadcast %div3A_29 : vector<1x32xf32> to vector<10000x32xf32>
    %sub3A_38 = arith.subf %add3A_20, %sub3A_37 : vector<10000x32xf32>
    %add3A_39 = arith.constant 9.99999974E-6 : f32
    %add3A_40 = vector.broadcast %add3A_39 : f32 to vector<1x32xf32>
    %add3A_41 = arith.addf %div3A_36, %add3A_40 : vector<1x32xf32>
    %rsqrt3A_42 = math.rsqrt %add3A_41 : vector<1x32xf32>
    %mul3A_43 = vector.broadcast %rsqrt3A_42 : vector<1x32xf32> to vector<10000x32xf32>
    %mul3A_44 = arith.mulf %sub3A_38, %mul3A_43 : vector<10000x32xf32>
    %mul3A_45 = vector.broadcast %get3A_23 : vector<1x32xf32> to vector<10000x32xf32>
    %mul3A_46 = arith.mulf %mul3A_44, %mul3A_45 : vector<10000x32xf32>
    %add3A_47 = vector.broadcast %get3A_26 : vector<1x32xf32> to vector<10000x32xf32>
    %add3A_48 = arith.addf %mul3A_46, %add3A_47 : vector<10000x32xf32>
    %max3A = arith.constant 0.000000e+00 : f32
    %max3A_49 = vector.broadcast %max3A : f32 to vector<10000x32xf32>
    %max3A_50 = arith.maximumf %add3A_48, %max3A_49 : vector<10000x32xf32>
    %swap3A = arith.constant 0 : index
    %swap3A_51 = arith.constant 0 : index
    %swap3A_52 = vector.load %arg9[%swap3A, %swap3A_51] : memref<10000x32xf32, #tpu.memory_space<vmem>>, vector<10000x32xf32>
    tpu.vector_store %arg9[%swap3A, %swap3A_51], %max3A_50 {strides = array<i32>} : memref<10000x32xf32, #tpu.memory_space<vmem>>, vector<10000x32xf32>,
    %get3A_53 = arith.constant 0 : index
    %get3A_54 = arith.constant 0 : index
    %get3A_55 = vector.load %arg7[%get3A_53, %get3A_54] : memref<10000x32xf32, #tpu.memory_space<vmem>>, vector<10000x32xf32>
    %add3A_56 = arith.addf %max3A_50, %get3A_55 : vector<10000x32xf32>
    %get3A_57 = arith.constant 0 : index
    %get3A_58 = arith.constant 0 : index
    %get3A_59 = vector.load %arg8[%get3A_57, %get3A_58] : memref<32x32xf32, #tpu.memory_space<vmem>>, vector<32x32xf32>
    %dot_general3A = arith.constant dense<0.000000e+00> : vector<10000x32xf32>
    %dot_general3A_60 = tpu.matmul %add3A_56, %get3A_59, %dot_general3A {dimension_numbers = #tpu.dot_dimension_numbers<[1], [0], [0], [1], [0, 0, 1, 1], [], []>, transpose_lhs_hint = false} : vector<10000x32xf32>, vector<32x32xf32>, vector<10000x32xf32> -> vector<10000x32xf32>
    %mul3A_61 = vector.broadcast %rsqrt3A : vector<10000x1xf32> to vector<10000x32xf32>
    %mul3A_62 = arith.mulf %dot_general3A_60, %mul3A_61 : vector<10000x32xf32>
    %swap3A_63 = arith.constant 0 : index
    %swap3A_64 = arith.constant 0 : index
    %swap3A_65 = vector.load %arg10[%swap3A_63, %swap3A_64] : memref<10000x32xf32, #tpu.memory_space<vmem>>, vector<10000x32xf32>
    tpu.vector_store %arg10[%swap3A_63, %swap3A_64], %mul3A_62 {strides = array<i32>} : memref<10000x32xf32, #tpu.memory_space<vmem>>, vector<10000x32xf32>,
    return
  }
}

module attributes {stable_mosaic.version = 14 : i64} {
  func.func @_foldB_body(%arg0: i32, %arg1: memref<400x32xf32, #tpu.memory_space<vmem>>, %arg2: memref<32x32xf32, #tpu.memory_space<vmem>>, %arg3: memref<1x32xf32, #tpu.memory_space<vmem>>, %arg4: memref<32x32xf32, #tpu.memory_space<vmem>>, %arg5: memref<1x32xf32, #tpu.memory_space<vmem>>, %arg6: memref<32x10000xf32, #tpu.memory_space<vmem>>, %arg7: memref<1x10000xf32, #tpu.memory_space<vmem>>, %arg8: memref<400x10000xf32, #tpu.memory_space<vmem>>) attributes {dimension_semantics = [#tpu.dimension_semantics<parallel>], iteration_bounds = array<i64: 25>, scalar_prefetch = 0 : i64, scratch_operands = 0 : i64, tpu.core_type = #tpu.core_type<tc>, window_params = [{transform_indices = @transform_0, window_bounds = array<i64: 400, 32>}, {pipeline_mode = #tpu.pipeline_mode<synchronous>, transform_indices = @transform_1, window_bounds = array<i64: 32, 32>}, {pipeline_mode = #tpu.pipeline_mode<synchronous>, transform_indices = @transform_2, window_bounds = array<i64: 1, 32>}, {pipeline_mode = #tpu.pipeline_mode<synchronous>, transform_indices = @transform_3, window_bounds = array<i64: 32, 32>}, {pipeline_mode = #tpu.pipeline_mode<synchronous>, transform_indices = @transform_4, window_bounds = array<i64: 1, 32>}, {pipeline_mode = #tpu.pipeline_mode<synchronous>, transform_indices = @transform_5, window_bounds = array<i64: 32, 10000>}, {pipeline_mode = #tpu.pipeline_mode<synchronous>, transform_indices = @transform_6, window_bounds = array<i64: 1, 10000>}, {transform_indices = @transform_7, window_bounds = array<i64: 400, 10000>}]} {
    %get3A = arith.constant 0 : index
    %get3A_0 = arith.constant 0 : index
    %get3A_1 = vector.load %arg1[%get3A, %get3A_0] : memref<400x32xf32, #tpu.memory_space<vmem>>, vector<400x32xf32>
    %get3A_2 = arith.constant 0 : index
    %get3A_3 = arith.constant 0 : index
    %get3A_4 = vector.load %arg2[%get3A_2, %get3A_3] : memref<32x32xf32, #tpu.memory_space<vmem>>, vector<32x32xf32>
    %dot_general3A = arith.constant dense<0.000000e+00> : vector<400x32xf32>
    %dot_general3A_5 = tpu.matmul %get3A_1, %get3A_4, %dot_general3A {dimension_numbers = #tpu.dot_dimension_numbers<[1], [0], [0], [1], [0, 0, 1, 1], [], []>, transpose_lhs_hint = false} : vector<400x32xf32>, vector<32x32xf32>, vector<400x32xf32> -> vector<400x32xf32>
    %get3A_6 = arith.constant 0 : index
    %get3A_7 = arith.constant 0 : index
    %get3A_8 = vector.load %arg3[%get3A_6, %get3A_7] : memref<1x32xf32, #tpu.memory_space<vmem>>, vector<1x32xf32>
    %add3A = vector.broadcast %get3A_8 : vector<1x32xf32> to vector<400x32xf32>
    %add3A_9 = arith.addf %dot_general3A_5, %add3A : vector<400x32xf32>
    %get3A_10 = arith.constant 0 : index
    %get3A_11 = arith.constant 0 : index
    %get3A_12 = vector.load %arg4[%get3A_10, %get3A_11] : memref<32x32xf32, #tpu.memory_space<vmem>>, vector<32x32xf32>
    %dot_general3A_13 = arith.constant dense<0.000000e+00> : vector<400x32xf32>
    %dot_general3A_14 = tpu.matmul %add3A_9, %get3A_12, %dot_general3A_13 {dimension_numbers = #tpu.dot_dimension_numbers<[1], [0], [0], [1], [0, 0, 1, 1], [], []>, transpose_lhs_hint = false} : vector<400x32xf32>, vector<32x32xf32>, vector<400x32xf32> -> vector<400x32xf32>
    %get3A_15 = arith.constant 0 : index
    %get3A_16 = arith.constant 0 : index
    %get3A_17 = vector.load %arg5[%get3A_15, %get3A_16] : memref<1x32xf32, #tpu.memory_space<vmem>>, vector<1x32xf32>
    %add3A_18 = vector.broadcast %get3A_17 : vector<1x32xf32> to vector<400x32xf32>
    %add3A_19 = arith.addf %dot_general3A_14, %add3A_18 : vector<400x32xf32>
    %get3A_20 = arith.constant 0 : index
    %get3A_21 = arith.constant 0 : index
    %get3A_22 = vector.load %arg6[%get3A_20, %get3A_21] : memref<32x10000xf32, #tpu.memory_space<vmem>>, vector<32x10000xf32>
    %dot_general3A_23 = arith.constant dense<0.000000e+00> : vector<400x10000xf32>
    %dot_general3A_24 = tpu.matmul %add3A_19, %get3A_22, %dot_general3A_23 {dimension_numbers = #tpu.dot_dimension_numbers<[1], [0], [0], [1], [0, 0, 1, 1], [], []>, transpose_lhs_hint = false} : vector<400x32xf32>, vector<32x10000xf32>, vector<400x10000xf32> -> vector<400x10000xf32>
    %get3A_25 = arith.constant 0 : index
    %get3A_26 = arith.constant 0 : index
    %get3A_27 = vector.load %arg7[%get3A_25, %get3A_26] : memref<1x10000xf32, #tpu.memory_space<vmem>>, vector<1x10000xf32>
    %add3A_28 = vector.broadcast %get3A_27 : vector<1x10000xf32> to vector<400x10000xf32>
    %add3A_29 = arith.addf %dot_general3A_24, %add3A_28 : vector<400x10000xf32>
    %swap3A = arith.constant 0 : index
    %swap3A_30 = arith.constant 0 : index
    %swap3A_31 = vector.load %arg8[%swap3A, %swap3A_30] : memref<400x10000xf32, #tpu.memory_space<vmem>>, vector<400x10000xf32>
    tpu.vector_store %arg8[%swap3A, %swap3A_30], %add3A_29 {strides = array<i32>} : memref<400x10000xf32, #tpu.memory_space<vmem>>, vector<400x10000xf32>,
    return
  }
  func.func @transform_0(%arg0: i32) -> (i32, i32) {
    %c0_i32 = arith.constant 0 : i32
    %c0_i32_0 = arith.constant 0 : i32
    return %arg0, %c0_i32 : i32, i32
  }
  func.func @transform_1(%arg0: i32) -> (i32, i32) {
    %c0_i32 = arith.constant 0 : i32
    %c0_i32_0 = arith.constant 0 : i32
    %c0_i32_1 = arith.constant 0 : i32
    return %c0_i32, %c0_i32_0 : i32, i32
  }
  func.func @transform_2(%arg0: i32) -> (i32, i32) {
    %c0_i32 = arith.constant 0 : i32
    %c0_i32_0 = arith.constant 0 : i32
    %c0_i32_1 = arith.constant 0 : i32
    return %c0_i32, %c0_i32_0 : i32, i32
  }
  func.func @transform_3(%arg0: i32) -> (i32, i32) {
    %c0_i32 = arith.constant 0 : i32
    %c0_i32_0 = arith.constant 0 : i32
    %c0_i32_1 = arith.constant 0 : i32
    return %c0_i32, %c0_i32_0 : i32, i32
  }
  func.func @transform_4(%arg0: i32) -> (i32, i32) {
    %c0_i32 = arith.constant 0 : i32
    %c0_i32_0 = arith.constant 0 : i32
    %c0_i32_1 = arith.constant 0 : i32
    return %c0_i32, %c0_i32_0 : i32, i32
  }
  func.func @transform_5(%arg0: i32) -> (i32, i32) {
    %c0_i32 = arith.constant 0 : i32
    %c0_i32_0 = arith.constant 0 : i32
    %c0_i32_1 = arith.constant 0 : i32
    return %c0_i32, %c0_i32_0 : i32, i32
  }
  func.func @transform_6(%arg0: i32) -> (i32, i32) {
    %c0_i32 = arith.constant 0 : i32
    %c0_i32_0 = arith.constant 0 : i32
    %c0_i32_1 = arith.constant 0 : i32
    return %c0_i32, %c0_i32_0 : i32, i32
  }
  func.func @transform_7(%arg0: i32) -> (i32, i32) {
    %c0_i32 = arith.constant 0 : i32
    %c0_i32_0 = arith.constant 0 : i32
    return %arg0, %c0_i32 : i32, i32
  }
}

module attributes {stable_mosaic.version = 14 : i64} {
  func.func @_glue3_body(%arg0: memref<10000x32xf32, #tpu.memory_space<vmem>>, %arg1: memref<10000x32xf32, #tpu.memory_space<vmem>>, %arg2: memref<10000x32xf32, #tpu.memory_space<vmem>>, %arg3: memref<10000x1xf32, #tpu.memory_space<vmem>>, %arg4: memref<1x32xf32, #tpu.memory_space<vmem>>, %arg5: memref<1x32xf32, #tpu.memory_space<vmem>>, %arg6: memref<1x32xf32, #tpu.memory_space<vmem>>, %arg7: memref<10000x32xf32, #tpu.memory_space<vmem>>, %arg8: memref<32x40xf32, #tpu.memory_space<vmem>>, %arg9: memref<32x40xf32, #tpu.memory_space<vmem>>, %arg10: memref<1x40xf32, #tpu.memory_space<vmem>>, %arg11: memref<10000x40xf32, #tpu.memory_space<vmem>>) attributes {dimension_semantics = [], scalar_prefetch = 0 : i64, scratch_operands = 0 : i64, tpu.core_type = #tpu.core_type<tc>} {
    %get3A = arith.constant 0 : index
    %get3A_0 = arith.constant 0 : index
    %get3A_1 = vector.load %arg3[%get3A, %get3A_0] : memref<10000x1xf32, #tpu.memory_space<vmem>>, vector<10000x1xf32>
    %add3A = arith.constant 1.000000e+00 : f32
    %add3A_2 = vector.broadcast %add3A : f32 to vector<10000x1xf32>
    %add3A_3 = arith.addf %get3A_1, %add3A_2 : vector<10000x1xf32>
    %rsqrt3A = math.rsqrt %add3A_3 : vector<10000x1xf32>
    %get3A_4 = arith.constant 0 : index
    %get3A_5 = arith.constant 0 : index
    %get3A_6 = vector.load %arg0[%get3A_4, %get3A_5] : memref<10000x32xf32, #tpu.memory_space<vmem>>, vector<10000x32xf32>
    %get3A_7 = arith.constant 0 : index
    %get3A_8 = arith.constant 0 : index
    %get3A_9 = vector.load %arg1[%get3A_7, %get3A_8] : memref<10000x32xf32, #tpu.memory_space<vmem>>, vector<10000x32xf32>
    %add3A_10 = arith.addf %get3A_6, %get3A_9 : vector<10000x32xf32>
    %get3A_11 = arith.constant 0 : index
    %get3A_12 = arith.constant 0 : index
    %get3A_13 = vector.load %arg2[%get3A_11, %get3A_12] : memref<10000x32xf32, #tpu.memory_space<vmem>>, vector<10000x32xf32>
    %add3A_14 = arith.addf %add3A_10, %get3A_13 : vector<10000x32xf32>
    %mul3A = vector.broadcast %rsqrt3A : vector<10000x1xf32> to vector<10000x32xf32>
    %mul3A_15 = arith.mulf %mul3A, %add3A_14 : vector<10000x32xf32>
    %get3A_16 = arith.constant 0 : index
    %get3A_17 = arith.constant 0 : index
    %get3A_18 = vector.load %arg4[%get3A_16, %get3A_17] : memref<1x32xf32, #tpu.memory_space<vmem>>, vector<1x32xf32>
    %add3A_19 = vector.broadcast %get3A_18 : vector<1x32xf32> to vector<10000x32xf32>
    %add3A_20 = arith.addf %mul3A_15, %add3A_19 : vector<10000x32xf32>
    %get3A_21 = arith.constant 0 : index
    %get3A_22 = arith.constant 0 : index
    %get3A_23 = vector.load %arg5[%get3A_21, %get3A_22] : memref<1x32xf32, #tpu.memory_space<vmem>>, vector<1x32xf32>
    %get3A_24 = arith.constant 0 : index
    %get3A_25 = arith.constant 0 : index
    %get3A_26 = vector.load %arg6[%get3A_24, %get3A_25] : memref<1x32xf32, #tpu.memory_space<vmem>>, vector<1x32xf32>
    %reduce_sum3A = arith.constant dense<0.000000e+00> : vector<32xf32>
    %reduce_sum3A_27 = vector.multi_reduction <add>, %add3A_20, %reduce_sum3A [0] : vector<10000x32xf32> to vector<32xf32>
    %broadcast_in_dim3A = vector.shape_cast %reduce_sum3A_27 : vector<32xf32> to vector<1x32xf32>
    %div3A = arith.constant 1.000000e+04 : f32
    %div3A_28 = vector.broadcast %div3A : f32 to vector<1x32xf32>
    %div3A_29 = arith.divf %broadcast_in_dim3A, %div3A_28 : vector<1x32xf32>
    %sub3A = vector.broadcast %div3A_29 : vector<1x32xf32> to vector<10000x32xf32>
    %sub3A_30 = arith.subf %add3A_20, %sub3A : vector<10000x32xf32>
    %integer_pow3A = arith.mulf %sub3A_30, %sub3A_30 : vector<10000x32xf32>
    %reduce_sum3A_31 = arith.constant dense<0.000000e+00> : vector<32xf32>
    %reduce_sum3A_32 = vector.multi_reduction <add>, %integer_pow3A, %reduce_sum3A_31 [0] : vector<10000x32xf32> to vector<32xf32>
    %broadcast_in_dim3A_33 = vector.shape_cast %reduce_sum3A_32 : vector<32xf32> to vector<1x32xf32>
    %div3A_34 = arith.constant 1.000000e+04 : f32
    %div3A_35 = vector.broadcast %div3A_34 : f32 to vector<1x32xf32>
    %div3A_36 = arith.divf %broadcast_in_dim3A_33, %div3A_35 : vector<1x32xf32>
    %sub3A_37 = vector.broadcast %div3A_29 : vector<1x32xf32> to vector<10000x32xf32>
    %sub3A_38 = arith.subf %add3A_20, %sub3A_37 : vector<10000x32xf32>
    %add3A_39 = arith.constant 9.99999974E-6 : f32
    %add3A_40 = vector.broadcast %add3A_39 : f32 to vector<1x32xf32>
    %add3A_41 = arith.addf %div3A_36, %add3A_40 : vector<1x32xf32>
    %rsqrt3A_42 = math.rsqrt %add3A_41 : vector<1x32xf32>
    %mul3A_43 = vector.broadcast %rsqrt3A_42 : vector<1x32xf32> to vector<10000x32xf32>
    %mul3A_44 = arith.mulf %sub3A_38, %mul3A_43 : vector<10000x32xf32>
    %mul3A_45 = vector.broadcast %get3A_23 : vector<1x32xf32> to vector<10000x32xf32>
    %mul3A_46 = arith.mulf %mul3A_44, %mul3A_45 : vector<10000x32xf32>
    %add3A_47 = vector.broadcast %get3A_26 : vector<1x32xf32> to vector<10000x32xf32>
    %add3A_48 = arith.addf %mul3A_46, %add3A_47 : vector<10000x32xf32>
    %max3A = arith.constant 0.000000e+00 : f32
    %max3A_49 = vector.broadcast %max3A : f32 to vector<10000x32xf32>
    %max3A_50 = arith.maximumf %add3A_48, %max3A_49 : vector<10000x32xf32>
    %get3A_51 = arith.constant 0 : index
    %get3A_52 = arith.constant 0 : index
    %get3A_53 = vector.load %arg7[%get3A_51, %get3A_52] : memref<10000x32xf32, #tpu.memory_space<vmem>>, vector<10000x32xf32>
    %get3A_54 = arith.constant 0 : index
    %get3A_55 = arith.constant 0 : index
    %get3A_56 = vector.load %arg8[%get3A_54, %get3A_55] : memref<32x40xf32, #tpu.memory_space<vmem>>, vector<32x40xf32>
    %dot_general3A = arith.constant dense<0.000000e+00> : vector<10000x40xf32>
    %dot_general3A_57 = tpu.matmul %get3A_53, %get3A_56, %dot_general3A {dimension_numbers = #tpu.dot_dimension_numbers<[1], [0], [0], [1], [0, 0, 1, 1], [], []>, transpose_lhs_hint = false} : vector<10000x32xf32>, vector<32x40xf32>, vector<10000x40xf32> -> vector<10000x40xf32>
    %get3A_58 = arith.constant 0 : index
    %get3A_59 = arith.constant 0 : index
    %get3A_60 = vector.load %arg9[%get3A_58, %get3A_59] : memref<32x40xf32, #tpu.memory_space<vmem>>, vector<32x40xf32>
    %dot_general3A_61 = arith.constant dense<0.000000e+00> : vector<10000x40xf32>
    %dot_general3A_62 = tpu.matmul %max3A_50, %get3A_60, %dot_general3A_61 {dimension_numbers = #tpu.dot_dimension_numbers<[1], [0], [0], [1], [0, 0, 1, 1], [], []>, transpose_lhs_hint = false} : vector<10000x32xf32>, vector<32x40xf32>, vector<10000x40xf32> -> vector<10000x40xf32>
    %add3A_63 = arith.addf %dot_general3A_57, %dot_general3A_62 : vector<10000x40xf32>
    %get3A_64 = arith.constant 0 : index
    %get3A_65 = arith.constant 0 : index
    %get3A_66 = vector.load %arg10[%get3A_64, %get3A_65] : memref<1x40xf32, #tpu.memory_space<vmem>>, vector<1x40xf32>
    %add3A_67 = vector.broadcast %get3A_66 : vector<1x40xf32> to vector<10000x40xf32>
    %add3A_68 = arith.addf %add3A_63, %add3A_67 : vector<10000x40xf32>
    %reduce_max3A = arith.constant dense<0xFF800000> : vector<10000xf32>
    %reduce_max3A_69 = vector.multi_reduction <maximumf>, %add3A_68, %reduce_max3A [1] : vector<10000x40xf32> to vector<10000xf32>
    %broadcast_in_dim3A_70 = vector.shape_cast %reduce_max3A_69 : vector<10000xf32> to vector<10000x1xf32>
    %sub3A_71 = vector.broadcast %broadcast_in_dim3A_70 : vector<10000x1xf32> to vector<10000x40xf32>
    %sub3A_72 = arith.subf %add3A_68, %sub3A_71 : vector<10000x40xf32>
    %exp3A = math.exp %sub3A_72 : vector<10000x40xf32>
    %reduce_sum3A_73 = arith.constant dense<0.000000e+00> : vector<10000xf32>
    %reduce_sum3A_74 = vector.multi_reduction <add>, %exp3A, %reduce_sum3A_73 [1] : vector<10000x40xf32> to vector<10000xf32>
    %broadcast_in_dim3A_75 = vector.shape_cast %reduce_sum3A_74 : vector<10000xf32> to vector<10000x1xf32>
    %log3A = math.log %broadcast_in_dim3A_75 : vector<10000x1xf32>
    %sub3A_76 = vector.broadcast %log3A : vector<10000x1xf32> to vector<10000x40xf32>
    %sub3A_77 = arith.subf %sub3A_72, %sub3A_76 : vector<10000x40xf32>
    %swap3A = arith.constant 0 : index
    %swap3A_78 = arith.constant 0 : index
    %swap3A_79 = vector.load %arg11[%swap3A, %swap3A_78] : memref<10000x40xf32, #tpu.memory_space<vmem>>, vector<10000x40xf32>
    tpu.vector_store %arg11[%swap3A, %swap3A_78], %sub3A_77 {strides = array<i32>} : memref<10000x40xf32, #tpu.memory_space<vmem>>, vector<10000x40xf32>,
    return
  }
}

</mosaic_0001>

<sc_bundles>
// kernel: kernel.10.cloned.1.call-start
scs
__scs_entry_jumppad:
0x0: {  	(pc) =	sbr.rel $0x88, $3  }
0x1: {  	(tag) =	ssettag $0x0;
	lr =	simm.s32 $0x1  }
0x2: {  	[smem:$0x3F8C] =	sst lr;
	_ =	strace $0xD0000000  }
0x3: {  	_ = 	snop  }
0x4: {  	_ = 	snop  }
0x5: {  	_ = 	snop  }
0x6: {  	_ = 	snop  }
0x7: {  	_ = 	snop  }
__scs_overlays_trampoline_lowered:
0x8: {  	[smem:$0x3F9B] =	sst s0  }
0x9: {  	[smem:$0x3F9C] =	sst s1  }
0xa: {  	[smem:$0x3F9D] =	sst s2  }
0xb: {  	[smem:$0x3F9E] =	sst s3  }
0xc: {  	[smem:$0x3F9F] =	sst s4  }
0xd: {  	[smem:$0x3FA0] =	sst s5  }
0xe: {  	[smem:$0x3FA1] =	sst s6  }
0xf: {  	[smem:$0x3FA2] =	sst s7  }
0x10: {  	[smem:$0x3FA3] =	sst s8  }
0x11: {  	[smem:$0x3FA4] =	sst s9;
	s0 =	simm.s32 @!p0 $0x0  }
0x12: {  	s1 =	sld [smem:$0x3F8A];
	s0 =	simm.s32 @p0 $0x1  }
0x13: {  	[smem:$0x3FA5] =	sst s0;
	s0 =	simm.s32 @!p1 $0x0  }
0x14: {  	s2 =	sld [smem:$0x3F89];
	s0 =	simm.s32 @p1 $0x1  }
0x15: {  	[smem:$0x3FA6] =	sst s0;
	s0 =	simm.s32 @!p2 $0x0  }
0x16: {  	s3 =	sld [smem:$0x3FDB];
	s0 =	simm.s32 @p2 $0x1  }
0x17: {  	s4 =	simm.s32 $0x1BF5;
	[smem:$0x3FA8] =	sst s0  }
0x18: {  	s0 =	sld [smem:$0x3F8B];
	_ =	swait.ge [sflag:s4], $0x0  }
0x19: {  	s7 =	sld [smem:$0x3F8C]  }
0x1a: {  	s8 =	sadd.s32 $0xFFFFE003, lr  }
0x1b: {  	s9 =	sadd.s32 $0xFFFFFEF7, lr;
	s5 =	simm.s32 $0xFFFFFFFF;
	p2 =	slt.u32 s8, $0xFFFFF086  }
0x1c: {  	p1 =	slt.u32 s9, $0xF7A;
	s5 =	simm.s32 @!p2 $0x0  }
0x1d: {  	s5 =	simm.s32 @p1 $0x1;
	p0 =	seq.s32 s7, s2  }
0x1e: {  	s7 =	smul.u32 @!p0 $0xF7A, s2;
	p2 =	seq.s32 @!p0 s5, $0x0  }
0x1f: {  	s9 =	smul.u32 $0xF7A, s1;
	s8 =	simm.s32 @!p0 $0x1BF5;
	p2 =	por !p2, p0  }
0x20: {  	[sflag:s8] =	ssyncset.s32 @!p0 $0xFFFFF086;
	s6 =	sadd.s32 @!p0 s3, s7;
	s7 =	simm.s32 @!p0 $0x108  }
0x21: {  	s3 =	sadd.s32 s3, s9;
	s6 =	sadd.s32 @!p0 $0x88, s6;
	s7 =	simm.s32 @p2 $0x1082  }
0x22: {  	[simem:s7], [sflag:s8] =	dma.local @!p0 [hbm:s6], $0xF7A  }
0x23: {  	s9 =	sor.u32 $0xD0000000, s2;
	s6 =	simm.s32 $0x108;
	_ =	swait.ge @!p0 [sflag:s8], $0x0  }
0x24: {  	s3 =	sadd.s32 $0x88, s3;
	s6 =	simm.s32 @!p1 $0x1082;
	[sflag:s4] =	ssyncset.s32 $0xFFFFF086  }
0x25: {  	[simem:s6], [sflag:s4] =	dma.local [hbm:s3], $0xF7A  }
0x26: {  	[smem:$0x3F8C] =	sst s1;
	(tag) =	ssettag s2;
	_ =	strace s9  }
0x27: {  	s1 =	sld [smem:$0x3F9C]  }
0x28: {  	s2 =	sld [smem:$0x3F9D]  }
0x29: {  	s4 =	sld [smem:$0x3F9F]  }
0x2a: {  	p0 =	seq.s32 s5, $0x0;
	s5 =	sld [smem:$0x3FA0]  }
0x2b: {  	s6 =	sld [smem:$0x3FA1]  }
0x2c: {  	s7 =	sld [smem:$0x3FA2]  }
0x2d: {  	s3 =	simm.s32 $0x108;
	s8 =	sld [smem:$0x3FA3]  }
0x2e: {  	s3 =	simm.s32 @!p0 $0x1082;
	s9 =	sld [smem:$0x3FA4]  }
0x2f: {  	lr =	sadd.s32 s0, s3;
	s0 =	sld [smem:$0x3F9B]  }
0x30: {  	s3 =	sld [smem:$0x3F9E]  }
0x31: {  	[smem:$0x3FA7] =	sst s10  }
0x32: {  	s10 =	sld [smem:$0x3FA5];
	_ =	sdelay $0x3  }
0x33: {  	p0 =	seq.s32 s10, $0x1;
	s10 =	sld [smem:$0x3FA7];
	_ =	sdelay $0x3  }
0x34: {  	[smem:$0x3FA7] =	sst s10  }
0x35: {  	s10 =	sld [smem:$0x3FA6];
	_ =	sdelay $0x3  }
0x36: {  	p1 =	seq.s32 s10, $0x1;
	s10 =	sld [smem:$0x3FA7];
	_ =	sdelay $0x3  }
0x37: {  	[smem:$0x3FA7] =	sst s10  }
0x38: {  	s10 =	sld [smem:$0x3FA8]  }
0x39: {  	_ = 	snop;
	(pc) =	sbr.ind lr, $3  }
0x3a: {  	_ = 	snop  }
0x3b: {  	_ = 	snop  }
0x3c: {  	p2 =	seq.s32 s10, $0x1;
	s10 =	sld [smem:$0x3FA7]  }
0x3d: {  	_ =	shalt  }
0x3e: {  	_ =	shalt  }
0x3f: {  	_ =	shalt  }
0x40: {  	_ =	shalt  }
0x41: {  	_ =	shalt  }
0x42: {  	_ =	shalt  }
0x43: {  	_ =	shalt  }
0x44: {  	_ =	shalt  }
0x45: {  	_ =	shalt  }
0x46: {  	_ =	shalt  }
0x47: {  	_ =	shalt  }
0x48: {  	_ =	shalt  }
0x49: {  	_ =	shalt  }
0x4a: {  	_ =	shalt  }
0x4b: {  	_ =	shalt  }
0x4c: {  	_ =	shalt  }
0x4d: {  	_ =	shalt  }
0x4e: {  	_ =	shalt  }
0x4f: {  	_ =	shalt  }
0x50: {  	_ =	shalt  }
0x51: {  	_ =	shalt  }
0x52: {  	_ =	shalt  }
0x53: {  	_ =	shalt  }
0x54: {  	_ =	shalt  }
0x55: {  	_ =	shalt  }
0x56: {  	_ =	shalt  }
0x57: {  	_ =	shalt  }
0x58: {  	_ =	shalt  }
0x59: {  	_ =	shalt  }
0x5a: {  	_ =	shalt  }
0x5b: {  	_ =	shalt  }
0x5c: {  	_ =	shalt  }
0x5d: {  	_ =	shalt  }
0x5e: {  	_ =	shalt  }
0x5f: {  	_ =	shalt  }
0x60: {  	_ =	shalt  }
0x61: {  	_ =	shalt  }
0x62: {  	_ =	shalt  }
0x63: {  	_ =	shalt  }
0x64: {  	_ =	shalt  }
0x65: {  	_ =	shalt  }
0x66: {  	_ =	shalt  }
0x67: {  	_ =	shalt  }
0x68: {  	_ =	shalt  }
0x69: {  	_ =	shalt  }
0x6a: {  	_ =	shalt  }
0x6b: {  	_ =	shalt  }
0x6c: {  	_ =	shalt  }
0x6d: {  	_ =	shalt  }
0x6e: {  	_ =	shalt  }
0x6f: {  	_ =	shalt  }
0x70: {  	_ =	shalt  }
0x71: {  	_ =	shalt  }
0x72: {  	_ =	shalt  }
0x73: {  	_ =	shalt  }
0x74: {  	_ =	shalt  }
0x75: {  	_ =	shalt  }
0x76: {  	_ =	shalt  }
0x77: {  	_ =	shalt  }
0x78: {  	_ =	shalt  }
0x79: {  	_ =	shalt  }
0x7a: {  	_ =	shalt  }
0x7b: {  	_ =	shalt  }
0x7c: {  	_ =	shalt  }
0x7d: {  	_ =	shalt  }
0x7e: {  	_ =	shalt  }
0x7f: {  	_ =	shalt  }
0x80: {  	_ =	shalt  }
0x81: {  	_ =	shalt  }
0x82: {  	_ =	shalt  }
0x83: {  	_ =	shalt  }
0x84: {  	_ =	shalt  }
0x85: {  	_ =	shalt  }
0x86: {  	_ =	shalt  }
0x87: {  	_ =	shalt  }
.Lfunc_end0:
.L_simem_size_0:
called_computation_lowered:
.L_overlay_start_0:
0x88: {  	s2 =	sld [smem:$0x3FD9]  }
0x89: {  	s3 =	sld [smem:$0x3FFE];
	_ =	sdelay $0x1  }
0x8a: {  	s1 =	srdreg.scid  }
0x8b: {  	s0 =	sand.u32 $0x1, s1  }
0x8c: {  	s14 =	sshll.u32 s0, $0xA;
	s2 =	sadd.s32 s3, s2  }
0x8d: {  	s2 =	sadd.s32 s2, s14  }
0x8e: {  	[smem:$0x3FB3] =	sst s2  }
0x8f: {  	_ = 	snop  }
0x90: {  	s2 =	sld [smem:$0x3FD0];
	_ =	sdelay $0x2  }
0x91: {  	s15 =	simm.s32 $0xA;
	s4 =	simm.s32 $0x10  }
0x92: {  	[smem:s4], [sflag:s15] =	dma.local [hbm:s2], $0x1  }
0x93: {  	_ =	swait.eq [sflag:s15], $0x1  }
0x94: {  	[sflag:s15] =	ssyncset.done $0x0  }
0x95: {  	s16 =	sld [smem:$0x10];
	[sflag:s15] =	ssyncadd.s32 $0xFFFFFFFF  }
0x96: {  	s17 =	sld [smem:$0x11];
	(tm) =	ssettm $0x1  }
0x97: {  	s18 =	sld [smem:$0x3FFB];
	_ =	sdelay $0x3  }
0x98: {  	_ =	strace s18  }
0x99: {  	s4 =	sld [smem:$0x3FFC];
	_ =	sdelay $0x3  }
0x9a: {  	_ =	strace s4  }
0x9b: {  	s4 =	sld [smem:$0x3FFD];
	_ =	sdelay $0x3  }
0x9c: {  	_ =	strace s4  }
0x9d: {  	_ =	strace $0x8FFFFFFF  }
0x9e: {  	s19 =	sld [smem:$0x3FDB];
	_ =	sdelay $0x1  }
0x9f: {  	s5 =	simm.s32 $_scs_section_size  }
0xa0: {  	s6 =	simm.s32 $_size__tile_overlayer_lowered;
	s7 =	simm.s32 $_tile_overlayer_lowered  }
0xa1: {  	s22 =	simm.s32 $0x1BFF;
	s21 =	sshll.u32 s7, $0x1;
	s4 =	sadd.s32 s5, s19  }
0xa2: {  	s8 =	simm.s32 $0x0;
	s20 =	sshll.u32 s6, $0x1;
	s6 =	sadd.s32 s21, s4  }
0xa3: {  	[timem:s8], [sflag:s22] =	dma.local [hbm:s6], s20  }
0xa4: {  	_ =	swait.ge [sflag:s22], s20  }
0xa5: {  	s5 =	ssub.s32 $0x0, s20;
	[sflag:s22] =	ssyncset.done $0x0  }
0xa6: {  	[sflag:s22] =	ssyncadd.s32 s5;
	_ =	sdelay $0x1  }
0xa7: {  	s23 =	simm.s32 $0x1B8B  }
0xa8: {  	_ =	swait.ge [sflag:s23], $0x1  }
0xa9: {  	[sflag:s23] =	ssyncset.done $0x0  }
0xaa: {  	s25 =	simm.s32 $0x1B8E;
	s24 =	sld [smem:$0x3FFE];
	[sflag:s23] =	ssyncadd.s32 $0xFFFFFFFF  }
0xab: {  	s26 =	simm.s32 $execute0_lowered;
	[smem:$0x3FD2] =	sst s25  }
0xac: {  	s6 =	sshll.u32 s26, $0x1;
	_ =	strace $0x80000046;
	[dreg:$0x1] =	wrdreg $0xFFFFFFFF  }
0xad: {  	s28 =	simm.s32 $_size_execute0_lowered;
	s4 =	sadd.s32 s4, s6;
	[dreg:$0x0] =	wrdreg $0x0  }
0xae: {  	s6 =	sshll.u32 s28, $0x1;
	[dreg:$0x2] =	wrdreg s4  }
0xaf: {  	[dreg:$0x3] =	wrdreg s6  }
0xb0: {  	[dreg:$0x4] =	wrdreg $0xC0  }
0xb1: {  	_ =	task [dreg:s8], $0x5FFFF  }
0xb2: {  	[dreg:$0x1] =	wrdreg $0xFFFFFFFF  }
0xb3: {  	[dreg:$0x0] =	wrdreg $0x60  }
0xb4: {  	[dreg:$0x2] =	wrdreg s24  }
0xb5: {  	[dreg:$0x3] =	wrdreg s17  }
0xb6: {  	[dreg:$0x4] =	wrdreg s16  }
0xb7: {  	[dreg:$0x5] =	wrdreg $0x14500  }
0xb8: {  	[dreg:$0x6] =	wrdreg $0x9  }
0xb9: {  	_ =	task.clear_ibuf [dreg:s8], $0x7FFFF;
	_ =	strace $0x90000046  }
0xba: {  	s29 =	simm.s32 $0x9;
	_ =	strace $0x80000048  }
0xbb: {  	_ =	swait.ge [sflag:s29], $0x1  }
0xbc: {  	[sflag:s29] =	ssyncadd.s32 $0xFFFFFFFF  }
0xbd: {  	_ =	strace $0x90000048  }
0xbe: {  	_ =	sfence  }
0xbf: {  	s30 =	sld [smem:$0x0];
	_ =	sdelay $0x2  }
0xc0: {  	s31 =	sshll.u32 s1, $0xD;
	s1 =	sshrl.u32 s1, $0x2  }
0xc1: {  	s3 =	sand.u32 $0x4000, s31;
	s1 =	sadd.s32 s1, s30  }
0xc2: {  	s0 =	sor.u32 s3, s0;
	s1 =	sshll.u32 s1, $0x11  }
0xc3: {  	s0 =	sor.u32 s1, s0  }
0xc4: {  	s0 =	sadd.s32 $0x8F2B, s0  }
0xc5: {  	[sflag:s0] =	ssyncadd.remote.s32 $0x1  }
0xc6: {  	_ =	sfence.sel $0xFFFF  }
0xc7: {  	[dreg:$0x0] =	wrdreg $0xFFFFFFFF;
	(pc) =	sbr.abs _section_cstart, $3  }
0xc8: {  	[dreg:$0x1] =	wrdreg $0xFFFFFFFF  }
0xc9: {  	_ =	task.clear_ibuf [dreg:s8], $0x2FFFF;
	_ =	strace $0x9FFFFFFF  }
0xca: {  	(tm) =	ssettm $0x7FFFFFFF  }
0xcb: {  	_ =	shalt  }
tec
execute0_lowered:
.L_overlay_start_1:
0x0: {  	(tag) =	ssettag $0x1  }
0x1: {  	s4 =	rddreg [dreg:$0x0]  }
0x2: {  	s0 =	rddreg [dreg:$0x1]  }
0x3: {  	s6 =	rddreg [dreg:$0x2]  }
0x4: {  	s1 =	srdreg.scid;
	s2 =	rddreg [dreg:$0x3]  }
0x5: {  	s3 =	simm.s32 $0x0;
	s5 =	sand.u32 $0x1, s1;
	s1 =	rddreg [dreg:$0x4]  }
0x6: {  	s7 =	stileid.u32;
	s12 =	simm.s32 $0x0;
	[smem:$0x7FF] =	sst s3  }
0x7: {  	p0 =	sne.s32 s7, $0x0;
	s8 =	sshll.u32 s5, $0x4;
	s9 =	ssub.s32 $0x2, s5  }
0x8: {  	s11 =	smul.u32 $0x500, s5;
	s8 =	sor.u32 s7, s8;
	s10 =	sshrl.u32 s9, $0x1  }
0x9: {  	_ =	strace $0x80000047;
	s8 =	smul.u32 $0x271, s8;
	s31 =	ssub.s32 s9, s10  }
0xa: {  	s6 =	sadd.s32 s6, s11;
	s9 =	simm.s32 $0x1;
	s10 =	simm.s32 $0x1388  }
0xb: {  	s11 =	simm.s32 $0xC8;
	s7 =	smax.u32 s31, $0x1;
	s30 =	sadd.s32 s8, s4  }
0xc: {  	s4 =	sadd.s32 $0xE000, s4;
	s8 =	sshrl.u32 @!p0 s2, $0x3;
	s5 =	sadd.s32 $0x9000, s30  }
.LBB2_1:
0xd: {  	s13 =	simm.s32 @!p0 $0x1C01  }
0xe: {  	[spmem:s8], [sflag:s13] =	dma.local @!p0 [hbm:s0], $0x500  }
0xf: {  	s13 =	simm.s32 @!p0 $0x1  }
0x10: {  	_ =	swait.ge @!p0 [sflag:s13], $0x500  }
0x11: {  	[sflag:s13] =	ssyncset.done @!p0 $0x0  }
0x12: {  	[sflag:s13] =	ssyncadd.s32 @!p0 $0xFFFFFB00  }
0x13: {  	[tilespmem:s3], [sflag:$0x1] =	stream.linear.gather [hbm4b:s5+s3], $0x1388, $0x38;
	[tilespmem:$0x16D0] =	vst v63  }
0x14: {  	_ =	swait.ge [sflag:s9], $0x1388  }
0x15: {  	[sflag:s9] =	ssyncset.done $0x0  }
0x16: {  	[sflag:s9] =	ssyncadd.s32 $0xFFFFEC78  }
0x17: {  	[tilespmem:s10], [sflag:$0x1] =	stream.linear.gather [hbm4b:s4+s3], $0xC8, $0x38;
	[tilespmem:$0x16D0] =	vst v63  }
0x18: {  	_ =	swait.ge [sflag:s9], $0xC8  }
0x19: {  	[sflag:s9] =	ssyncset.done $0x0  }
0x1a: {  	[sflag:s9] =	ssyncadd.s32 $0xFFFFFF38  }
0x1b: {  	s31 =	simm.s32 $0x0;
	[bflag:$0x0] =	sbarrier.arrive $0xFFFF  }
0x1c: {  	[spmem:s2] =	stream.indirect.scatter.add.f32 [tilespmem:s10], [sflag:$0x1], $0x1, s31, s11, $0xb8;
	[tilespmem:$0x16D0] =	vst v63  }
0x1d: {  	_ =	swait.ge [sflag:s9], $0xC8  }
0x1e: {  	s13 =	simm.s32 $0x320;
	[sflag:s9] =	ssyncset.done $0x0  }
.LBB2_2:
0x1f: {  	s14 =	sshra.s32 s13, $0x2;
	[sflag:s9] =	ssyncadd.s32 $0xFFFFFF38;
	p1 =	sne.s32 s13, $0x4B00  }
0x20: {  	[spmem:s2] =	stream.indirect.scatter.add.f32 [tilespmem:s10], [sflag:$0x1], $0x1, s14, s11, $0xb8;
	[tilespmem:$0x16D0] =	vst v63  }
.Ltmp0:
0x21: {  	_ = 	snop;
	(pc) =	sbr.rel @p1 .LBB2_2-.Ltmp0, $4  }
0x22: {  	_ = 	snop  }
0x23: {  	s13 =	sadd.s32 $0x320, s13  }
0x24: {  	_ =	swait.ge [sflag:s9], $0xC8  }
0x25: {  	[sflag:s9] =	ssyncset.done $0x0  }
0x26: {  	[sflag:s9] =	ssyncadd.s32 $0xFFFFFF38;
	s12 =	sadd.s32 $0x1, s12  }
0x27: {  	s13 =	simm.s32 @!p0 $0x1C01;
	[bflag:$0x0] =	sbarrier.arrive $0xFFFF;
	p1 =	sne.s32 s12, s7  }
0x28: {  	[hbm:s6], [sflag:s13] =	dma.local @!p0 [spmem:s8], $0x500  }
.Ltmp1:
0x29: {  	_ = 	snop;
	(pc) =	sbr.rel @p1 .LBB2_1-.Ltmp1, $4  }
0x2a: {  	s13 =	simm.s32 @!p0 $0x1  }
0x2b: {  	_ =	swait.ge @!p0 [sflag:s13], $0x500  }
0x2c: {  	[sflag:s13] =	ssyncset.done @!p0 $0x0  }
0x2d: {  	[sflag:s13] =	ssyncadd.s32 @!p0 $0xFFFFFB00  }
0x2e: {  	_ =	sfence.sel $0x180000  }
0x2f: {  	[bflag:$0x0] =	sbarrier.arrive $0xFFFF  }
0x30: {  	_ =	strace $0x90000047  }
0x31: {  	s0 =	sadd.s32 @!p0 $0x100000, s1;
	[bflag:$0x2] =	sbarrier.arrive $0xFFFF  }
0x32: {  	[sflag:s0] =	ssyncadd.tile.s32 @!p0 $0x1;
	_ =	shalt  }
.Lfunc_end2:
_tile_overlayer_lowered:
.L_overlay_start_2:
0x33: {  	(tag) =	ssettag $0x2  }
0x34: {  	s0 =	rddreg [dreg:$0x0];
	s2 =	stileid.u32  }
0x35: {  	s1 =	rddreg [dreg:$0x1];
	p0 =	sne.s32 s2, $0x0  }
0x36: {  	s3 =	rddreg [dreg:$0x2];
	[bflag:$0x3] =	sbarrier.arrive $0xFFFF;
	s2 =	simm.s32 @!p0 $0x1C01  }
0x37: {  	[timem:s3], [sflag:s2] =	dma.local @!p0 [hbm:s0], s1  }
0x38: {  	s0 =	simm.s32 @!p0 $0x1  }
0x39: {  	_ =	swait.ge @!p0 [sflag:s0], s1  }
0x3a: {  	s1 =	ssub.s32 @!p0 $0x0, s1;
	[sflag:s0] =	ssyncset.done @!p0 $0x0  }
0x3b: {  	[sflag:s0] =	ssyncadd.s32 @!p0 s1  }
0x3c: {  	[bflag:$0x3] =	sbarrier.arrive $0xFFFF  }
0x3d: {  	_ =	shalt  }

// kernel: kernel.13.cloned.1.call-start
scs
__scs_entry_jumppad:
0x0: {  	(pc) =	sbr.rel $0x88, $3  }
0x1: {  	(tag) =	ssettag $0x0;
	lr =	simm.s32 $0x1  }
0x2: {  	[smem:$0x3F8C] =	sst lr;
	_ =	strace $0xD0000000  }
0x3: {  	_ = 	snop  }
0x4: {  	_ = 	snop  }
0x5: {  	_ = 	snop  }
0x6: {  	_ = 	snop  }
0x7: {  	_ = 	snop  }
__scs_overlays_trampoline_lowered:
0x8: {  	[smem:$0x3F9B] =	sst s0  }
0x9: {  	[smem:$0x3F9C] =	sst s1  }
0xa: {  	[smem:$0x3F9D] =	sst s2  }
0xb: {  	[smem:$0x3F9E] =	sst s3  }
0xc: {  	[smem:$0x3F9F] =	sst s4  }
0xd: {  	[smem:$0x3FA0] =	sst s5  }
0xe: {  	[smem:$0x3FA1] =	sst s6  }
0xf: {  	[smem:$0x3FA2] =	sst s7  }
0x10: {  	[smem:$0x3FA3] =	sst s8  }
0x11: {  	[smem:$0x3FA4] =	sst s9;
	s0 =	simm.s32 @!p0 $0x0  }
0x12: {  	s1 =	sld [smem:$0x3F8A];
	s0 =	simm.s32 @p0 $0x1  }
0x13: {  	[smem:$0x3FA5] =	sst s0;
	s0 =	simm.s32 @!p1 $0x0  }
0x14: {  	s2 =	sld [smem:$0x3F89];
	s0 =	simm.s32 @p1 $0x1  }
0x15: {  	[smem:$0x3FA6] =	sst s0;
	s0 =	simm.s32 @!p2 $0x0  }
0x16: {  	s3 =	sld [smem:$0x3FDB];
	s0 =	simm.s32 @p2 $0x1  }
0x17: {  	s4 =	simm.s32 $0x1BF5;
	[smem:$0x3FA8] =	sst s0  }
0x18: {  	s0 =	sld [smem:$0x3F8B];
	_ =	swait.ge [sflag:s4], $0x0  }
0x19: {  	s7 =	sld [smem:$0x3F8C]  }
0x1a: {  	s8 =	sadd.s32 $0xFFFFE003, lr  }
0x1b: {  	s9 =	sadd.s32 $0xFFFFFEF7, lr;
	s5 =	simm.s32 $0xFFFFFFFF;
	p2 =	slt.u32 s8, $0xFFFFF086  }
0x1c: {  	p1 =	slt.u32 s9, $0xF7A;
	s5 =	simm.s32 @!p2 $0x0  }
0x1d: {  	s5 =	simm.s32 @p1 $0x1;
	p0 =	seq.s32 s7, s2  }
0x1e: {  	s7 =	smul.u32 @!p0 $0xF7A, s2;
	p2 =	seq.s32 @!p0 s5, $0x0  }
0x1f: {  	s9 =	smul.u32 $0xF7A, s1;
	s8 =	simm.s32 @!p0 $0x1BF5;
	p2 =	por !p2, p0  }
0x20: {  	[sflag:s8] =	ssyncset.s32 @!p0 $0xFFFFF086;
	s6 =	sadd.s32 @!p0 s3, s7;
	s7 =	simm.s32 @!p0 $0x108  }
0x21: {  	s3 =	sadd.s32 s3, s9;
	s6 =	sadd.s32 @!p0 $0x88, s6;
	s7 =	simm.s32 @p2 $0x1082  }
0x22: {  	[simem:s7], [sflag:s8] =	dma.local @!p0 [hbm:s6], $0xF7A  }
0x23: {  	s9 =	sor.u32 $0xD0000000, s2;
	s6 =	simm.s32 $0x108;
	_ =	swait.ge @!p0 [sflag:s8], $0x0  }
0x24: {  	s3 =	sadd.s32 $0x88, s3;
	s6 =	simm.s32 @!p1 $0x1082;
	[sflag:s4] =	ssyncset.s32 $0xFFFFF086  }
0x25: {  	[simem:s6], [sflag:s4] =	dma.local [hbm:s3], $0xF7A  }
0x26: {  	[smem:$0x3F8C] =	sst s1;
	(tag) =	ssettag s2;
	_ =	strace s9  }
0x27: {  	s1 =	sld [smem:$0x3F9C]  }
0x28: {  	s2 =	sld [smem:$0x3F9D]  }
0x29: {  	s4 =	sld [smem:$0x3F9F]  }
0x2a: {  	p0 =	seq.s32 s5, $0x0;
	s5 =	sld [smem:$0x3FA0]  }
0x2b: {  	s6 =	sld [smem:$0x3FA1]  }
0x2c: {  	s7 =	sld [smem:$0x3FA2]  }
0x2d: {  	s3 =	simm.s32 $0x108;
	s8 =	sld [smem:$0x3FA3]  }
0x2e: {  	s3 =	simm.s32 @!p0 $0x1082;
	s9 =	sld [smem:$0x3FA4]  }
0x2f: {  	lr =	sadd.s32 s0, s3;
	s0 =	sld [smem:$0x3F9B]  }
0x30: {  	s3 =	sld [smem:$0x3F9E]  }
0x31: {  	[smem:$0x3FA7] =	sst s10  }
0x32: {  	s10 =	sld [smem:$0x3FA5];
	_ =	sdelay $0x3  }
0x33: {  	p0 =	seq.s32 s10, $0x1;
	s10 =	sld [smem:$0x3FA7];
	_ =	sdelay $0x3  }
0x34: {  	[smem:$0x3FA7] =	sst s10  }
0x35: {  	s10 =	sld [smem:$0x3FA6];
	_ =	sdelay $0x3  }
0x36: {  	p1 =	seq.s32 s10, $0x1;
	s10 =	sld [smem:$0x3FA7];
	_ =	sdelay $0x3  }
0x37: {  	[smem:$0x3FA7] =	sst s10  }
0x38: {  	s10 =	sld [smem:$0x3FA8]  }
0x39: {  	_ = 	snop;
	(pc) =	sbr.ind lr, $3  }
0x3a: {  	_ = 	snop  }
0x3b: {  	_ = 	snop  }
0x3c: {  	p2 =	seq.s32 s10, $0x1;
	s10 =	sld [smem:$0x3FA7]  }
0x3d: {  	_ =	shalt  }
0x3e: {  	_ =	shalt  }
0x3f: {  	_ =	shalt  }
0x40: {  	_ =	shalt  }
0x41: {  	_ =	shalt  }
0x42: {  	_ =	shalt  }
0x43: {  	_ =	shalt  }
0x44: {  	_ =	shalt  }
0x45: {  	_ =	shalt  }
0x46: {  	_ =	shalt  }
0x47: {  	_ =	shalt  }
0x48: {  	_ =	shalt  }
0x49: {  	_ =	shalt  }
0x4a: {  	_ =	shalt  }
0x4b: {  	_ =	shalt  }
0x4c: {  	_ =	shalt  }
0x4d: {  	_ =	shalt  }
0x4e: {  	_ =	shalt  }
0x4f: {  	_ =	shalt  }
0x50: {  	_ =	shalt  }
0x51: {  	_ =	shalt  }
0x52: {  	_ =	shalt  }
0x53: {  	_ =	shalt  }
0x54: {  	_ =	shalt  }
0x55: {  	_ =	shalt  }
0x56: {  	_ =	shalt  }
0x57: {  	_ =	shalt  }
0x58: {  	_ =	shalt  }
0x59: {  	_ =	shalt  }
0x5a: {  	_ =	shalt  }
0x5b: {  	_ =	shalt  }
0x5c: {  	_ =	shalt  }
0x5d: {  	_ =	shalt  }
0x5e: {  	_ =	shalt  }
0x5f: {  	_ =	shalt  }
0x60: {  	_ =	shalt  }
0x61: {  	_ =	shalt  }
0x62: {  	_ =	shalt  }
0x63: {  	_ =	shalt  }
0x64: {  	_ =	shalt  }
0x65: {  	_ =	shalt  }
0x66: {  	_ =	shalt  }
0x67: {  	_ =	shalt  }
0x68: {  	_ =	shalt  }
0x69: {  	_ =	shalt  }
0x6a: {  	_ =	shalt  }
0x6b: {  	_ =	shalt  }
0x6c: {  	_ =	shalt  }
0x6d: {  	_ =	shalt  }
0x6e: {  	_ =	shalt  }
0x6f: {  	_ =	shalt  }
0x70: {  	_ =	shalt  }
0x71: {  	_ =	shalt  }
0x72: {  	_ =	shalt  }
0x73: {  	_ =	shalt  }
0x74: {  	_ =	shalt  }
0x75: {  	_ =	shalt  }
0x76: {  	_ =	shalt  }
0x77: {  	_ =	shalt  }
0x78: {  	_ =	shalt  }
0x79: {  	_ =	shalt  }
0x7a: {  	_ =	shalt  }
0x7b: {  	_ =	shalt  }
0x7c: {  	_ =	shalt  }
0x7d: {  	_ =	shalt  }
0x7e: {  	_ =	shalt  }
0x7f: {  	_ =	shalt  }
0x80: {  	_ =	shalt  }
0x81: {  	_ =	shalt  }
0x82: {  	_ =	shalt  }
0x83: {  	_ =	shalt  }
0x84: {  	_ =	shalt  }
0x85: {  	_ =	shalt  }
0x86: {  	_ =	shalt  }
0x87: {  	_ =	shalt  }
.Lfunc_end0:
.L_simem_size_0:
called_computation.1_lowered:
.L_overlay_start_0:
0x88: {  	s2 =	sld [smem:$0x3FD9]  }
0x89: {  	s3 =	sld [smem:$0x3FFE];
	_ =	sdelay $0x1  }
0x8a: {  	s1 =	srdreg.scid  }
0x8b: {  	s0 =	sand.u32 $0x1, s1  }
0x8c: {  	s14 =	sshll.u32 s0, $0xA;
	s2 =	sadd.s32 s3, s2  }
0x8d: {  	s2 =	sadd.s32 s2, s14  }
0x8e: {  	[smem:$0x3FB3] =	sst s2  }
0x8f: {  	_ = 	snop  }
0x90: {  	s2 =	sld [smem:$0x3FD0];
	_ =	sdelay $0x2  }
0x91: {  	s15 =	simm.s32 $0xA;
	s4 =	simm.s32 $0x10  }
0x92: {  	[smem:s4], [sflag:s15] =	dma.local [hbm:s2], $0x1  }
0x93: {  	_ =	swait.eq [sflag:s15], $0x1  }
0x94: {  	[sflag:s15] =	ssyncset.done $0x0  }
0x95: {  	[sflag:s15] =	ssyncadd.s32 $0xFFFFFFFF  }
0x96: {  	s16 =	sld [smem:$0x10];
	(tm) =	ssettm $0x1  }
0x97: {  	s17 =	sld [smem:$0x3FFB];
	_ =	sdelay $0x3  }
0x98: {  	_ =	strace s17  }
0x99: {  	s3 =	sld [smem:$0x3FFC];
	_ =	sdelay $0x3  }
0x9a: {  	_ =	strace s3  }
0x9b: {  	s3 =	sld [smem:$0x3FFD];
	_ =	sdelay $0x3  }
0x9c: {  	_ =	strace s3  }
0x9d: {  	_ =	strace $0x8FFFFFFF  }
0x9e: {  	s18 =	sld [smem:$0x3FDB];
	_ =	sdelay $0x1  }
0x9f: {  	s19 =	simm.s32 $_scs_section_size  }
0xa0: {  	s5 =	simm.s32 $_size__tile_overlayer_lowered;
	s6 =	simm.s32 $_tile_overlayer_lowered  }
0xa1: {  	s22 =	simm.s32 $0x1BFF;
	s21 =	sshll.u32 s6, $0x1;
	s3 =	sadd.s32 s19, s18  }
0xa2: {  	s7 =	simm.s32 $0x0;
	s20 =	sshll.u32 s5, $0x1;
	s5 =	sadd.s32 s21, s3  }
0xa3: {  	[timem:s7], [sflag:s22] =	dma.local [hbm:s5], s20  }
0xa4: {  	_ =	swait.ge [sflag:s22], s20  }
0xa5: {  	s4 =	ssub.s32 $0x0, s20;
	[sflag:s22] =	ssyncset.done $0x0  }
0xa6: {  	[sflag:s22] =	ssyncadd.s32 s4;
	_ =	sdelay $0x1  }
0xa7: {  	s23 =	simm.s32 $0x1B8B  }
0xa8: {  	_ =	swait.ge [sflag:s23], $0x1  }
0xa9: {  	[sflag:s23] =	ssyncset.done $0x0  }
0xaa: {  	s25 =	simm.s32 $0x1B8E;
	s24 =	sld [smem:$0x3FFE];
	[sflag:s23] =	ssyncadd.s32 $0xFFFFFFFF  }
0xab: {  	s26 =	simm.s32 $execute0_lowered;
	[smem:$0x3FD2] =	sst s25  }
0xac: {  	s5 =	sshll.u32 s26, $0x1;
	_ =	strace $0x80000049;
	[dreg:$0x1] =	wrdreg $0xFFFFFFFF  }
0xad: {  	s28 =	simm.s32 $_size_execute0_lowered;
	s3 =	sadd.s32 s3, s5;
	[dreg:$0x0] =	wrdreg $0x0  }
0xae: {  	s5 =	sshll.u32 s28, $0x1;
	[dreg:$0x2] =	wrdreg s3  }
0xaf: {  	[dreg:$0x3] =	wrdreg s5  }
0xb0: {  	[dreg:$0x4] =	wrdreg $0xC0  }
0xb1: {  	_ =	task [dreg:s7], $0x5FFFF  }
0xb2: {  	[dreg:$0x1] =	wrdreg $0xFFFFFFFF  }
0xb3: {  	[dreg:$0x0] =	wrdreg $0x60  }
0xb4: {  	[dreg:$0x2] =	wrdreg s16  }
0xb5: {  	[dreg:$0x3] =	wrdreg s24  }
0xb6: {  	[dreg:$0x4] =	wrdreg $0x59100  }
0xb7: {  	[dreg:$0x5] =	wrdreg $0xA7300  }
0xb8: {  	[dreg:$0x6] =	wrdreg $0x9  }
0xb9: {  	_ =	task.clear_ibuf [dreg:s7], $0x7FFFF;
	_ =	strace $0x90000049  }
0xba: {  	s29 =	simm.s32 $0x9;
	_ =	strace $0x8000004B  }
0xbb: {  	_ =	swait.ge [sflag:s29], $0x1  }
0xbc: {  	[sflag:s29] =	ssyncadd.s32 $0xFFFFFFFF  }
0xbd: {  	_ =	strace $0x9000004B  }
0xbe: {  	_ =	sfence  }
0xbf: {  	s30 =	sld [smem:$0x0];
	_ =	sdelay $0x2  }
0xc0: {  	s31 =	sshll.u32 s1, $0xD;
	s1 =	sshrl.u32 s1, $0x2  }
0xc1: {  	s3 =	sand.u32 $0x4000, s31;
	s1 =	sadd.s32 s1, s30  }
0xc2: {  	s0 =	sor.u32 s3, s0;
	s1 =	sshll.u32 s1, $0x11  }
0xc3: {  	s0 =	sor.u32 s1, s0  }
0xc4: {  	s0 =	sadd.s32 $0x8F2B, s0  }
0xc5: {  	[sflag:s0] =	ssyncadd.remote.s32 $0x1  }
0xc6: {  	_ =	sfence.sel $0xFFFF  }
0xc7: {  	[dreg:$0x0] =	wrdreg $0xFFFFFFFF;
	(pc) =	sbr.abs _section_cstart, $3  }
0xc8: {  	[dreg:$0x1] =	wrdreg $0xFFFFFFFF  }
0xc9: {  	_ =	task.clear_ibuf [dreg:s7], $0x2FFFF;
	_ =	strace $0x9FFFFFFF  }
0xca: {  	(tm) =	ssettm $0x7FFFFFFF  }
0xcb: {  	_ =	shalt  }
tec
execute0_lowered:
.L_overlay_start_1:
0x0: {  	(tag) =	ssettag $0x1  }
0x1: {  	s4 =	rddreg [dreg:$0x0]  }
0x2: {  	s5 =	rddreg [dreg:$0x1]  }
0x3: {  	s0 =	srdreg.scid;
	s1 =	rddreg [dreg:$0x2]  }
0x4: {  	s2 =	rddreg [dreg:$0x3];
	s20 =	stileid.u32  }
0x5: {  	s3 =	simm.s32 $0x0;
	s16 =	simm.s32 $0x2710;
	s17 =	simm.s32 $0x4010  }
0x6: {  	s18 =	simm.s32 $0x1;
	s19 =	simm.s32 $0x2;
	s22 =	simm.s32 $0x0  }
0x7: {  	s6 =	sand.u32 $0x1, s0;
	s0 =	rddreg [dreg:$0x4];
	s8 =	smul.u32 $0x4E40, s20  }
0x8: {  	[smem:$0x7FF] =	sst s3;
	s12 =	smul.u32 $0x4E20, s20;
	s31 =	sshll.u32 s20, $0x6  }
0x9: {  	p0 =	sne.s32 s20, $0x0;
	s7 =	sshll.u32 s6, $0x4;
	_ =	strace $0x8000004A  }
0xa: {  	s29 =	smul.u32 $0x9C40, s6;
	s6 =	ssub.s32 $0x2, s6;
	s21 =	sshrl.u32 @!p0 s2, $0x3  }
0xb: {  	s7 =	sor.u32 s20, s7;
	s10 =	sshrl.u32 s8, $0x3;
	s11 =	sshrl.u32 s6, $0x1  }
0xc: {  	s14 =	sadd.s32 s12, s1;
	s30 =	sshrl.u32 s12, $0x3;
	s15 =	sadd.s32 s8, s2  }
0xd: {  	s12 =	simm.s32 $0x3;
	s20 =	simm.s32 $0x2648;
	s7 =	smul.u32 $0x271, s7  }
0xe: {  	s10 =	sadd.s32 s10, s5;
	s13 =	sadd.s32 s29, s5;
	s11 =	ssub.s32 s6, s11  }
0xf: {  	s4 =	sadd.s32 s4, s30;
	s6 =	sadd.s32 $0x35200, s10;
	s10 =	smax.u32 s11, $0x1  }
0x10: {  	s11 =	sshrl.u32 s14, $0x3;
	s14 =	simm.s32 $0x1388;
	s9 =	sadd.s32 s7, s5  }
0x11: {  	s5 =	sor.u32 $0x1C03, s31;
	s7 =	sadd.s32 $0x4000, s9;
	s8 =	sadd.s32 $0x9000, s9  }
0x12: {  	s9 =	sadd.s32 $0x3F000, s13;
	s13 =	sshrl.u32 s15, $0x3;
	s15 =	simm.s32 $0xC8  }
.LBB2_1:
0x13: {  	[spmem:s11], [sflag:s5] =	dma.local [hbm:s4], $0x9C4  }
0x14: {  	_ =	swait.ge [sflag:s12], $0x9C4  }
0x15: {  	[sflag:s12] =	ssyncset.done $0x0  }
0x16: {  	[sflag:s12] =	ssyncadd.s32 $0xFFFFF63C  }
0x17: {  	[spmem:s13], [sflag:s5] =	dma.local [hbm:s6], $0x9C8  }
0x18: {  	_ =	swait.ge [sflag:s12], $0x9C8  }
0x19: {  	[sflag:s12] =	ssyncset.done $0x0  }
0x1a: {  	[sflag:s12] =	ssyncadd.s32 $0xFFFFF638  }
0x1b: {  	[tilespmem:s3], [sflag:$0x3] =	stream.linear.gather [hbm4b:s7+s3], $0x1388, $0x38;
	[tilespmem:$0xF570] =	vst v63  }
0x1c: {  	_ =	swait.ge [sflag:s12], $0x1388  }
0x1d: {  	[sflag:s12] =	ssyncset.done $0x0  }
0x1e: {  	[sflag:s12] =	ssyncadd.s32 $0xFFFFEC78  }
0x1f: {  	[tilespmem:s14], [sflag:$0x3] =	stream.linear.gather [hbm4b:s8+s3], $0x1388, $0x38;
	[tilespmem:$0xF570] =	vst v63  }
0x20: {  	_ =	swait.ge [sflag:s12], $0x1388  }
0x21: {  	[sflag:s12] =	ssyncset.done $0x0  }
0x22: {  	[sflag:s12] =	ssyncadd.s32 $0xFFFFEC78  }
0x23: {  	[bflag:$0x0] =	sbarrier.arrive $0xFFFF  }
0x24: {  	[tilespmem:s16], [sflag:$0x1] =	stream.indirect.gather [spmem:s1], $0x20, s3, s15, $0xb8;
	[tilespmem:$0xF570] =	vst v63  }
0x25: {  	s23 =	simm.s32 $0xC8  }
0x26: {  	[tilespmem:s17], [sflag:$0x2] =	stream.indirect.gather [spmem:s1], $0x20, s23, s15, $0xb8;
	[tilespmem:$0xF570] =	vst v63  }
0x27: {  	_ =	swait.ge [sflag:s18], $0x1900  }
0x28: {  	[sflag:s18] =	ssyncset.done $0x0  }
0x29: {  	s29 =	simm.s32 $0x1388;
	[sflag:s18] =	ssyncadd.s32 $0xFFFFE700  }
0x2a: {  	[spmem:s2] =	stream.indirect.scatter.add.f32 [tilespmem:s16], [sflag:$0x3], $0x20, s29, s15, $0xb8;
	[tilespmem:$0xF570] =	vst v63  }
0x2b: {  	_ =	swait.ge [sflag:s12], $0x1900  }
0x2c: {  	[sflag:s12] =	ssyncset.done $0x0  }
0x2d: {  	s30 =	simm.s32 $0x190;
	[sflag:s12] =	ssyncadd.s32 $0xFFFFE700  }
0x2e: {  	[tilespmem:s16], [sflag:$0x1] =	stream.indirect.gather [spmem:s1], $0x20, s30, s15, $0xb8;
	[tilespmem:$0xF570] =	vst v63  }
0x2f: {  	_ =	swait.ge [sflag:s19], $0x1900  }
0x30: {  	[sflag:s19] =	ssyncset.done $0x0  }
0x31: {  	s31 =	simm.s32 $0x1450;
	[sflag:s19] =	ssyncadd.s32 $0xFFFFE700  }
0x32: {  	[spmem:s2] =	stream.indirect.scatter.add.f32 [tilespmem:s17], [sflag:$0x3], $0x20, s31, s15, $0xb8;
	[tilespmem:$0xF570] =	vst v63  }
0x33: {  	_ =	swait.ge [sflag:s12], $0x1900  }
0x34: {  	s24 =	simm.s32 $0xC80;
	s23 =	simm.s32 $0x190;
	[sflag:s12] =	ssyncset.done $0x0  }
.LBB2_2:
0x35: {  	s25 =	sadd.s32 $0xC8, s23  }
0x36: {  	[sflag:s12] =	ssyncadd.s32 $0xFFFFE700;
	s26 =	smov.u32 s24;
	s28 =	sadd.s32 $0x640, s24  }
0x37: {  	[tilespmem:s17], [sflag:$0x2] =	stream.indirect.gather [spmem:s1], $0x20, s25, s15, $0xb8;
	[tilespmem:$0xF570] =	vst v63  }
0x38: {  	p1 =	sne.s32 s24, $0x44C0;
	_ =	swait.ge [sflag:s18], $0x1900  }
0x39: {  	[sflag:s18] =	ssyncset.done $0x0  }
0x3a: {  	s24 =	sadd.s32 $0x1388, s23;
	[sflag:s18] =	ssyncadd.s32 $0xFFFFE700  }
0x3b: {  	[spmem:s2] =	stream.indirect.scatter.add.f32 [tilespmem:s16], [sflag:$0x3], $0x20, s24, s15, $0xb8;
	[tilespmem:$0xF570] =	vst v63  }
0x3c: {  	_ =	swait.ge [sflag:s12], $0x1900  }
0x3d: {  	[sflag:s12] =	ssyncset.done $0x0  }
0x3e: {  	s24 =	sadd.s32 $0x190, s23;
	[sflag:s12] =	ssyncadd.s32 $0xFFFFE700  }
0x3f: {  	[tilespmem:s16], [sflag:$0x1] =	stream.indirect.gather [spmem:s1], $0x20, s24, s15, $0xb8;
	[tilespmem:$0xF570] =	vst v63  }
0x40: {  	_ =	swait.ge [sflag:s19], $0x1900  }
.Ltmp0:
0x41: {  	[sflag:s19] =	ssyncset.done $0x0;
	(pc) =	sbr.rel @p1 .LBB2_2-.Ltmp0, $4  }
0x42: {  	s23 =	sadd.s32 $0x1450, s23;
	[sflag:s19] =	ssyncadd.s32 $0xFFFFE700  }
0x43: {  	[spmem:s2] =	stream.indirect.scatter.add.f32 [tilespmem:s17], [sflag:$0x3], $0x20, s23, s15, $0xb8;
	[tilespmem:$0xF570] =	vst v63  }
0x44: {  	_ =	swait.ge [sflag:s12], $0x1900  }
0x45: {  	s24 =	smov.u32 s28;
	s23 =	sshra.s32 s26, $0x2;
	[sflag:s12] =	ssyncset.done $0x0  }
0x46: {  	s24 =	sadd.s32 $0xC8, s23;
	[sflag:s12] =	ssyncadd.s32 $0xFFFFE700  }
0x47: {  	[tilespmem:s17], [sflag:$0x2] =	stream.indirect.gather [spmem:s1], $0x20, s24, s15, $0xb8;
	[tilespmem:$0xF570] =	vst v63  }
0x48: {  	_ =	swait.ge [sflag:s18], $0x1900  }
0x49: {  	[sflag:s18] =	ssyncset.done $0x0  }
0x4a: {  	s29 =	sadd.s32 $0x1388, s23;
	[sflag:s18] =	ssyncadd.s32 $0xFFFFE700  }
0x4b: {  	[spmem:s2] =	stream.indirect.scatter.add.f32 [tilespmem:s16], [sflag:$0x3], $0x20, s29, s15, $0xb8;
	[tilespmem:$0xF570] =	vst v63  }
0x4c: {  	_ =	swait.ge [sflag:s12], $0x1900  }
0x4d: {  	[sflag:s12] =	ssyncset.done $0x0  }
0x4e: {  	s30 =	sadd.s32 $0x190, s23;
	[sflag:s12] =	ssyncadd.s32 $0xFFFFE700  }
0x4f: {  	[tilespmem:s16], [sflag:$0x1] =	stream.indirect.gather [spmem:s1], $0x20, s30, s15, $0xb8;
	[tilespmem:$0xF570] =	vst v63  }
0x50: {  	_ =	swait.ge [sflag:s19], $0x1900  }
0x51: {  	[sflag:s19] =	ssyncset.done $0x0  }
0x52: {  	s31 =	sadd.s32 $0x1450, s23;
	[sflag:s19] =	ssyncadd.s32 $0xFFFFE700  }
0x53: {  	[spmem:s2] =	stream.indirect.scatter.add.f32 [tilespmem:s17], [sflag:$0x3], $0x20, s31, s15, $0xb8;
	[tilespmem:$0xF570] =	vst v63  }
0x54: {  	_ =	swait.ge [sflag:s12], $0x1900  }
0x55: {  	[sflag:s12] =	ssyncset.done $0x0  }
0x56: {  	[sflag:s12] =	ssyncadd.s32 $0xFFFFE700  }
0x57: {  	_ =	swait.ge [sflag:s18], $0x1900  }
0x58: {  	[sflag:s18] =	ssyncset.done $0x0  }
0x59: {  	[sflag:s18] =	ssyncadd.s32 $0xFFFFE700  }
0x5a: {  	[spmem:s2] =	stream.indirect.scatter.add.f32 [tilespmem:s16], [sflag:$0x3], $0x20, s20, s15, $0xb8;
	[tilespmem:$0xF570] =	vst v63  }
0x5b: {  	_ =	swait.ge [sflag:s12], $0x1900  }
0x5c: {  	s22 =	sadd.s32 $0x1, s22;
	[sflag:s12] =	ssyncset.done $0x0  }
0x5d: {  	p1 =	sne.s32 s22, s10;
	[sflag:s12] =	ssyncadd.s32 $0xFFFFE700  }
.Ltmp1:
0x5e: {  	s23 =	simm.s32 @!p0 $0x3;
	[bflag:$0x0] =	sbarrier.arrive $0xFFFF;
	(pc) =	sbr.rel @p1 .LBB2_1-.Ltmp1, $4  }
0x5f: {  	[hbm:s9], [sflag:s5] =	dma.local @!p0 [spmem:s21], $0x9C40  }
0x60: {  	_ =	swait.ge @!p0 [sflag:s23], $0x9C40  }
0x61: {  	[sflag:s23] =	ssyncset.done @!p0 $0x0  }
0x62: {  	[sflag:s23] =	ssyncadd.s32 @!p0 $0xFFFF63C0  }
0x63: {  	_ =	sfence.sel $0x180000  }
0x64: {  	[bflag:$0x0] =	sbarrier.arrive $0xFFFF  }
0x65: {  	_ =	strace $0x9000004A  }
0x66: {  	s0 =	sadd.s32 @!p0 $0x100000, s0;
	[bflag:$0x2] =	sbarrier.arrive $0xFFFF  }
0x67: {  	[sflag:s0] =	ssyncadd.tile.s32 @!p0 $0x1;
	_ =	shalt  }
.Lfunc_end2:
_tile_overlayer_lowered:
.L_overlay_start_2:
0x68: {  	(tag) =	ssettag $0x2  }
0x69: {  	s0 =	rddreg [dreg:$0x0];
	s2 =	stileid.u32  }
0x6a: {  	s1 =	rddreg [dreg:$0x1];
	p0 =	sne.s32 s2, $0x0  }
0x6b: {  	s3 =	rddreg [dreg:$0x2];
	[bflag:$0x3] =	sbarrier.arrive $0xFFFF;
	s2 =	simm.s32 @!p0 $0x1C03  }
0x6c: {  	[timem:s3], [sflag:s2] =	dma.local @!p0 [hbm:s0], s1  }
0x6d: {  	s0 =	simm.s32 @!p0 $0x3  }
0x6e: {  	_ =	swait.ge @!p0 [sflag:s0], s1  }
0x6f: {  	s1 =	ssub.s32 @!p0 $0x0, s1;
	[sflag:s0] =	ssyncset.done @!p0 $0x0  }
0x70: {  	[sflag:s0] =	ssyncadd.s32 @!p0 s1  }
0x71: {  	[bflag:$0x3] =	sbarrier.arrive $0xFFFF  }
0x72: {  	_ =	shalt  }

// kernel: kernel.16.cloned.1.call-start
scs
__scs_entry_jumppad:
0x0: {  	(pc) =	sbr.rel $0x88, $3  }
0x1: {  	(tag) =	ssettag $0x0;
	lr =	simm.s32 $0x1  }
0x2: {  	[smem:$0x3F8C] =	sst lr;
	_ =	strace $0xD0000000  }
0x3: {  	_ = 	snop  }
0x4: {  	_ = 	snop  }
0x5: {  	_ = 	snop  }
0x6: {  	_ = 	snop  }
0x7: {  	_ = 	snop  }
__scs_overlays_trampoline_lowered:
0x8: {  	[smem:$0x3F9B] =	sst s0  }
0x9: {  	[smem:$0x3F9C] =	sst s1  }
0xa: {  	[smem:$0x3F9D] =	sst s2  }
0xb: {  	[smem:$0x3F9E] =	sst s3  }
0xc: {  	[smem:$0x3F9F] =	sst s4  }
0xd: {  	[smem:$0x3FA0] =	sst s5  }
0xe: {  	[smem:$0x3FA1] =	sst s6  }
0xf: {  	[smem:$0x3FA2] =	sst s7  }
0x10: {  	[smem:$0x3FA3] =	sst s8  }
0x11: {  	[smem:$0x3FA4] =	sst s9;
	s0 =	simm.s32 @!p0 $0x0  }
0x12: {  	s1 =	sld [smem:$0x3F8A];
	s0 =	simm.s32 @p0 $0x1  }
0x13: {  	[smem:$0x3FA5] =	sst s0;
	s0 =	simm.s32 @!p1 $0x0  }
0x14: {  	s2 =	sld [smem:$0x3F89];
	s0 =	simm.s32 @p1 $0x1  }
0x15: {  	[smem:$0x3FA6] =	sst s0;
	s0 =	simm.s32 @!p2 $0x0  }
0x16: {  	s3 =	sld [smem:$0x3FDB];
	s0 =	simm.s32 @p2 $0x1  }
0x17: {  	s4 =	simm.s32 $0x1BF5;
	[smem:$0x3FA8] =	sst s0  }
0x18: {  	s0 =	sld [smem:$0x3F8B];
	_ =	swait.ge [sflag:s4], $0x0  }
0x19: {  	s7 =	sld [smem:$0x3F8C]  }
0x1a: {  	s8 =	sadd.s32 $0xFFFFE003, lr  }
0x1b: {  	s9 =	sadd.s32 $0xFFFFFEF7, lr;
	s5 =	simm.s32 $0xFFFFFFFF;
	p2 =	slt.u32 s8, $0xFFFFF086  }
0x1c: {  	p1 =	slt.u32 s9, $0xF7A;
	s5 =	simm.s32 @!p2 $0x0  }
0x1d: {  	s5 =	simm.s32 @p1 $0x1;
	p0 =	seq.s32 s7, s2  }
0x1e: {  	s7 =	smul.u32 @!p0 $0xF7A, s2;
	p2 =	seq.s32 @!p0 s5, $0x0  }
0x1f: {  	s9 =	smul.u32 $0xF7A, s1;
	s8 =	simm.s32 @!p0 $0x1BF5;
	p2 =	por !p2, p0  }
0x20: {  	[sflag:s8] =	ssyncset.s32 @!p0 $0xFFFFF086;
	s6 =	sadd.s32 @!p0 s3, s7;
	s7 =	simm.s32 @!p0 $0x108  }
0x21: {  	s3 =	sadd.s32 s3, s9;
	s6 =	sadd.s32 @!p0 $0x88, s6;
	s7 =	simm.s32 @p2 $0x1082  }
0x22: {  	[simem:s7], [sflag:s8] =	dma.local @!p0 [hbm:s6], $0xF7A  }
0x23: {  	s9 =	sor.u32 $0xD0000000, s2;
	s6 =	simm.s32 $0x108;
	_ =	swait.ge @!p0 [sflag:s8], $0x0  }
0x24: {  	s3 =	sadd.s32 $0x88, s3;
	s6 =	simm.s32 @!p1 $0x1082;
	[sflag:s4] =	ssyncset.s32 $0xFFFFF086  }
0x25: {  	[simem:s6], [sflag:s4] =	dma.local [hbm:s3], $0xF7A  }
0x26: {  	[smem:$0x3F8C] =	sst s1;
	(tag) =	ssettag s2;
	_ =	strace s9  }
0x27: {  	s1 =	sld [smem:$0x3F9C]  }
0x28: {  	s2 =	sld [smem:$0x3F9D]  }
0x29: {  	s4 =	sld [smem:$0x3F9F]  }
0x2a: {  	p0 =	seq.s32 s5, $0x0;
	s5 =	sld [smem:$0x3FA0]  }
0x2b: {  	s6 =	sld [smem:$0x3FA1]  }
0x2c: {  	s7 =	sld [smem:$0x3FA2]  }
0x2d: {  	s3 =	simm.s32 $0x108;
	s8 =	sld [smem:$0x3FA3]  }
0x2e: {  	s3 =	simm.s32 @!p0 $0x1082;
	s9 =	sld [smem:$0x3FA4]  }
0x2f: {  	lr =	sadd.s32 s0, s3;
	s0 =	sld [smem:$0x3F9B]  }
0x30: {  	s3 =	sld [smem:$0x3F9E]  }
0x31: {  	[smem:$0x3FA7] =	sst s10  }
0x32: {  	s10 =	sld [smem:$0x3FA5];
	_ =	sdelay $0x3  }
0x33: {  	p0 =	seq.s32 s10, $0x1;
	s10 =	sld [smem:$0x3FA7];
	_ =	sdelay $0x3  }
0x34: {  	[smem:$0x3FA7] =	sst s10  }
0x35: {  	s10 =	sld [smem:$0x3FA6];
	_ =	sdelay $0x3  }
0x36: {  	p1 =	seq.s32 s10, $0x1;
	s10 =	sld [smem:$0x3FA7];
	_ =	sdelay $0x3  }
0x37: {  	[smem:$0x3FA7] =	sst s10  }
0x38: {  	s10 =	sld [smem:$0x3FA8]  }
0x39: {  	_ = 	snop;
	(pc) =	sbr.ind lr, $3  }
0x3a: {  	_ = 	snop  }
0x3b: {  	_ = 	snop  }
0x3c: {  	p2 =	seq.s32 s10, $0x1;
	s10 =	sld [smem:$0x3FA7]  }
0x3d: {  	_ =	shalt  }
0x3e: {  	_ =	shalt  }
0x3f: {  	_ =	shalt  }
0x40: {  	_ =	shalt  }
0x41: {  	_ =	shalt  }
0x42: {  	_ =	shalt  }
0x43: {  	_ =	shalt  }
0x44: {  	_ =	shalt  }
0x45: {  	_ =	shalt  }
0x46: {  	_ =	shalt  }
0x47: {  	_ =	shalt  }
0x48: {  	_ =	shalt  }
0x49: {  	_ =	shalt  }
0x4a: {  	_ =	shalt  }
0x4b: {  	_ =	shalt  }
0x4c: {  	_ =	shalt  }
0x4d: {  	_ =	shalt  }
0x4e: {  	_ =	shalt  }
0x4f: {  	_ =	shalt  }
0x50: {  	_ =	shalt  }
0x51: {  	_ =	shalt  }
0x52: {  	_ =	shalt  }
0x53: {  	_ =	shalt  }
0x54: {  	_ =	shalt  }
0x55: {  	_ =	shalt  }
0x56: {  	_ =	shalt  }
0x57: {  	_ =	shalt  }
0x58: {  	_ =	shalt  }
0x59: {  	_ =	shalt  }
0x5a: {  	_ =	shalt  }
0x5b: {  	_ =	shalt  }
0x5c: {  	_ =	shalt  }
0x5d: {  	_ =	shalt  }
0x5e: {  	_ =	shalt  }
0x5f: {  	_ =	shalt  }
0x60: {  	_ =	shalt  }
0x61: {  	_ =	shalt  }
0x62: {  	_ =	shalt  }
0x63: {  	_ =	shalt  }
0x64: {  	_ =	shalt  }
0x65: {  	_ =	shalt  }
0x66: {  	_ =	shalt  }
0x67: {  	_ =	shalt  }
0x68: {  	_ =	shalt  }
0x69: {  	_ =	shalt  }
0x6a: {  	_ =	shalt  }
0x6b: {  	_ =	shalt  }
0x6c: {  	_ =	shalt  }
0x6d: {  	_ =	shalt  }
0x6e: {  	_ =	shalt  }
0x6f: {  	_ =	shalt  }
0x70: {  	_ =	shalt  }
0x71: {  	_ =	shalt  }
0x72: {  	_ =	shalt  }
0x73: {  	_ =	shalt  }
0x74: {  	_ =	shalt  }
0x75: {  	_ =	shalt  }
0x76: {  	_ =	shalt  }
0x77: {  	_ =	shalt  }
0x78: {  	_ =	shalt  }
0x79: {  	_ =	shalt  }
0x7a: {  	_ =	shalt  }
0x7b: {  	_ =	shalt  }
0x7c: {  	_ =	shalt  }
0x7d: {  	_ =	shalt  }
0x7e: {  	_ =	shalt  }
0x7f: {  	_ =	shalt  }
0x80: {  	_ =	shalt  }
0x81: {  	_ =	shalt  }
0x82: {  	_ =	shalt  }
0x83: {  	_ =	shalt  }
0x84: {  	_ =	shalt  }
0x85: {  	_ =	shalt  }
0x86: {  	_ =	shalt  }
0x87: {  	_ =	shalt  }
.Lfunc_end0:
.L_simem_size_0:
called_computation.2_lowered:
.L_overlay_start_0:
0x88: {  	s2 =	sld [smem:$0x3FD9]  }
0x89: {  	s3 =	sld [smem:$0x3FFE];
	_ =	sdelay $0x1  }
0x8a: {  	s1 =	srdreg.scid  }
0x8b: {  	s0 =	sand.u32 $0x1, s1  }
0x8c: {  	s14 =	sshll.u32 s0, $0xA;
	s2 =	sadd.s32 s3, s2  }
0x8d: {  	s2 =	sadd.s32 s2, s14  }
0x8e: {  	[smem:$0x3FB3] =	sst s2  }
0x8f: {  	_ = 	snop  }
0x90: {  	s2 =	sld [smem:$0x3FD0];
	_ =	sdelay $0x2  }
0x91: {  	s15 =	simm.s32 $0xA;
	s4 =	simm.s32 $0x10  }
0x92: {  	[smem:s4], [sflag:s15] =	dma.local [hbm:s2], $0x1  }
0x93: {  	_ =	swait.eq [sflag:s15], $0x1  }
0x94: {  	[sflag:s15] =	ssyncset.done $0x0  }
0x95: {  	[sflag:s15] =	ssyncadd.s32 $0xFFFFFFFF  }
0x96: {  	s16 =	sld [smem:$0x10];
	(tm) =	ssettm $0x1  }
0x97: {  	s17 =	sld [smem:$0x3FFB];
	_ =	sdelay $0x3  }
0x98: {  	_ =	strace s17  }
0x99: {  	s3 =	sld [smem:$0x3FFC];
	_ =	sdelay $0x3  }
0x9a: {  	_ =	strace s3  }
0x9b: {  	s3 =	sld [smem:$0x3FFD];
	_ =	sdelay $0x3  }
0x9c: {  	_ =	strace s3  }
0x9d: {  	_ =	strace $0x8FFFFFFF  }
0x9e: {  	s18 =	sld [smem:$0x3FDB];
	_ =	sdelay $0x1  }
0x9f: {  	s19 =	simm.s32 $_scs_section_size  }
0xa0: {  	s5 =	simm.s32 $_size__tile_overlayer_lowered;
	s6 =	simm.s32 $_tile_overlayer_lowered  }
0xa1: {  	s22 =	simm.s32 $0x1BFF;
	s21 =	sshll.u32 s6, $0x1;
	s3 =	sadd.s32 s19, s18  }
0xa2: {  	s7 =	simm.s32 $0x0;
	s20 =	sshll.u32 s5, $0x1;
	s5 =	sadd.s32 s21, s3  }
0xa3: {  	[timem:s7], [sflag:s22] =	dma.local [hbm:s5], s20  }
0xa4: {  	_ =	swait.ge [sflag:s22], s20  }
0xa5: {  	s4 =	ssub.s32 $0x0, s20;
	[sflag:s22] =	ssyncset.done $0x0  }
0xa6: {  	[sflag:s22] =	ssyncadd.s32 s4;
	_ =	sdelay $0x1  }
0xa7: {  	s23 =	simm.s32 $0x1B8B  }
0xa8: {  	_ =	swait.ge [sflag:s23], $0x1  }
0xa9: {  	[sflag:s23] =	ssyncset.done $0x0  }
0xaa: {  	s25 =	simm.s32 $0x1B8E;
	s24 =	sld [smem:$0x3FFE];
	[sflag:s23] =	ssyncadd.s32 $0xFFFFFFFF  }
0xab: {  	s26 =	simm.s32 $execute0_lowered;
	[smem:$0x3FD2] =	sst s25  }
0xac: {  	s5 =	sshll.u32 s26, $0x1;
	_ =	strace $0x8000004C;
	[dreg:$0x1] =	wrdreg $0xFFFFFFFF  }
0xad: {  	s28 =	simm.s32 $_size_execute0_lowered;
	s3 =	sadd.s32 s3, s5;
	[dreg:$0x0] =	wrdreg $0x0  }
0xae: {  	s5 =	sshll.u32 s28, $0x1;
	[dreg:$0x2] =	wrdreg s3  }
0xaf: {  	[dreg:$0x3] =	wrdreg s5  }
0xb0: {  	[dreg:$0x4] =	wrdreg $0xC0  }
0xb1: {  	_ =	task [dreg:s7], $0x5FFFF  }
0xb2: {  	[dreg:$0x1] =	wrdreg $0xFFFFFFFF  }
0xb3: {  	[dreg:$0x0] =	wrdreg $0x60  }
0xb4: {  	[dreg:$0x2] =	wrdreg s16  }
0xb5: {  	[dreg:$0x3] =	wrdreg s24  }
0xb6: {  	[dreg:$0x4] =	wrdreg $0x59100  }
0xb7: {  	[dreg:$0x5] =	wrdreg $0xA7300  }
0xb8: {  	[dreg:$0x6] =	wrdreg $0x9  }
0xb9: {  	_ =	task.clear_ibuf [dreg:s7], $0x7FFFF;
	_ =	strace $0x9000004C  }
0xba: {  	s29 =	simm.s32 $0x9;
	_ =	strace $0x8000004E  }
0xbb: {  	_ =	swait.ge [sflag:s29], $0x1  }
0xbc: {  	[sflag:s29] =	ssyncadd.s32 $0xFFFFFFFF  }
0xbd: {  	_ =	strace $0x9000004E  }
0xbe: {  	_ =	sfence  }
0xbf: {  	s30 =	sld [smem:$0x0];
	_ =	sdelay $0x2  }
0xc0: {  	s31 =	sshll.u32 s1, $0xD;
	s1 =	sshrl.u32 s1, $0x2  }
0xc1: {  	s3 =	sand.u32 $0x4000, s31;
	s1 =	sadd.s32 s1, s30  }
0xc2: {  	s0 =	sor.u32 s3, s0;
	s1 =	sshll.u32 s1, $0x11  }
0xc3: {  	s0 =	sor.u32 s1, s0  }
0xc4: {  	s0 =	sadd.s32 $0x8F2B, s0  }
0xc5: {  	[sflag:s0] =	ssyncadd.remote.s32 $0x1  }
0xc6: {  	_ =	sfence.sel $0xFFFF  }
0xc7: {  	[dreg:$0x0] =	wrdreg $0xFFFFFFFF;
	(pc) =	sbr.abs _section_cstart, $3  }
0xc8: {  	[dreg:$0x1] =	wrdreg $0xFFFFFFFF  }
0xc9: {  	_ =	task.clear_ibuf [dreg:s7], $0x2FFFF;
	_ =	strace $0x9FFFFFFF  }
0xca: {  	(tm) =	ssettm $0x7FFFFFFF  }
0xcb: {  	_ =	shalt  }
tec
execute0_lowered:
.L_overlay_start_1:
0x0: {  	(tag) =	ssettag $0x1  }
0x1: {  	s4 =	rddreg [dreg:$0x0]  }
0x2: {  	s5 =	rddreg [dreg:$0x1]  }
0x3: {  	s0 =	srdreg.scid;
	s1 =	rddreg [dreg:$0x2]  }
0x4: {  	s2 =	rddreg [dreg:$0x3];
	s20 =	stileid.u32  }
0x5: {  	s3 =	simm.s32 $0x0;
	s16 =	simm.s32 $0x2710;
	s17 =	simm.s32 $0x4010  }
0x6: {  	s18 =	simm.s32 $0x1;
	s19 =	simm.s32 $0x2;
	s22 =	simm.s32 $0x0  }
0x7: {  	s6 =	sand.u32 $0x1, s0;
	s0 =	rddreg [dreg:$0x4];
	s8 =	smul.u32 $0x4E40, s20  }
0x8: {  	[smem:$0x7FF] =	sst s3;
	s12 =	smul.u32 $0x4E20, s20;
	s31 =	sshll.u32 s20, $0x6  }
0x9: {  	p0 =	sne.s32 s20, $0x0;
	s7 =	sshll.u32 s6, $0x4;
	_ =	strace $0x8000004D  }
0xa: {  	s29 =	smul.u32 $0x9C40, s6;
	s6 =	ssub.s32 $0x2, s6;
	s21 =	sshrl.u32 @!p0 s2, $0x3  }
0xb: {  	s7 =	sor.u32 s20, s7;
	s10 =	sshrl.u32 s8, $0x3;
	s11 =	sshrl.u32 s6, $0x1  }
0xc: {  	s14 =	sadd.s32 s12, s1;
	s30 =	sshrl.u32 s12, $0x3;
	s15 =	sadd.s32 s8, s2  }
0xd: {  	s12 =	simm.s32 $0x3;
	s20 =	simm.s32 $0x2648;
	s7 =	smul.u32 $0x271, s7  }
0xe: {  	s10 =	sadd.s32 s10, s5;
	s13 =	sadd.s32 s29, s5;
	s11 =	ssub.s32 s6, s11  }
0xf: {  	s4 =	sadd.s32 s4, s30;
	s6 =	sadd.s32 $0x35200, s10;
	s10 =	smax.u32 s11, $0x1  }
0x10: {  	s11 =	sshrl.u32 s14, $0x3;
	s14 =	simm.s32 $0x1388;
	s9 =	sadd.s32 s7, s5  }
0x11: {  	s5 =	sor.u32 $0x1C03, s31;
	s7 =	sadd.s32 $0x4000, s9;
	s8 =	sadd.s32 $0x9000, s9  }
0x12: {  	s9 =	sadd.s32 $0x3F000, s13;
	s13 =	sshrl.u32 s15, $0x3;
	s15 =	simm.s32 $0xC8  }
.LBB2_1:
0x13: {  	[spmem:s11], [sflag:s5] =	dma.local [hbm:s4], $0x9C4  }
0x14: {  	_ =	swait.ge [sflag:s12], $0x9C4  }
0x15: {  	[sflag:s12] =	ssyncset.done $0x0  }
0x16: {  	[sflag:s12] =	ssyncadd.s32 $0xFFFFF63C  }
0x17: {  	[spmem:s13], [sflag:s5] =	dma.local [hbm:s6], $0x9C8  }
0x18: {  	_ =	swait.ge [sflag:s12], $0x9C8  }
0x19: {  	[sflag:s12] =	ssyncset.done $0x0  }
0x1a: {  	[sflag:s12] =	ssyncadd.s32 $0xFFFFF638  }
0x1b: {  	[tilespmem:s3], [sflag:$0x3] =	stream.linear.gather [hbm4b:s7+s3], $0x1388, $0x38;
	[tilespmem:$0xF570] =	vst v63  }
0x1c: {  	_ =	swait.ge [sflag:s12], $0x1388  }
0x1d: {  	[sflag:s12] =	ssyncset.done $0x0  }
0x1e: {  	[sflag:s12] =	ssyncadd.s32 $0xFFFFEC78  }
0x1f: {  	[tilespmem:s14], [sflag:$0x3] =	stream.linear.gather [hbm4b:s8+s3], $0x1388, $0x38;
	[tilespmem:$0xF570] =	vst v63  }
0x20: {  	_ =	swait.ge [sflag:s12], $0x1388  }
0x21: {  	[sflag:s12] =	ssyncset.done $0x0  }
0x22: {  	[sflag:s12] =	ssyncadd.s32 $0xFFFFEC78  }
0x23: {  	[bflag:$0x0] =	sbarrier.arrive $0xFFFF  }
0x24: {  	[tilespmem:s16], [sflag:$0x1] =	stream.indirect.gather [spmem:s1], $0x20, s3, s15, $0xb8;
	[tilespmem:$0xF570] =	vst v63  }
0x25: {  	s23 =	simm.s32 $0xC8  }
0x26: {  	[tilespmem:s17], [sflag:$0x2] =	stream.indirect.gather [spmem:s1], $0x20, s23, s15, $0xb8;
	[tilespmem:$0xF570] =	vst v63  }
0x27: {  	_ =	swait.ge [sflag:s18], $0x1900  }
0x28: {  	[sflag:s18] =	ssyncset.done $0x0  }
0x29: {  	s29 =	simm.s32 $0x1388;
	[sflag:s18] =	ssyncadd.s32 $0xFFFFE700  }
0x2a: {  	[spmem:s2] =	stream.indirect.scatter.add.f32 [tilespmem:s16], [sflag:$0x3], $0x20, s29, s15, $0xb8;
	[tilespmem:$0xF570] =	vst v63  }
0x2b: {  	_ =	swait.ge [sflag:s12], $0x1900  }
0x2c: {  	[sflag:s12] =	ssyncset.done $0x0  }
0x2d: {  	s30 =	simm.s32 $0x190;
	[sflag:s12] =	ssyncadd.s32 $0xFFFFE700  }
0x2e: {  	[tilespmem:s16], [sflag:$0x1] =	stream.indirect.gather [spmem:s1], $0x20, s30, s15, $0xb8;
	[tilespmem:$0xF570] =	vst v63  }
0x2f: {  	_ =	swait.ge [sflag:s19], $0x1900  }
0x30: {  	[sflag:s19] =	ssyncset.done $0x0  }
0x31: {  	s31 =	simm.s32 $0x1450;
	[sflag:s19] =	ssyncadd.s32 $0xFFFFE700  }
0x32: {  	[spmem:s2] =	stream.indirect.scatter.add.f32 [tilespmem:s17], [sflag:$0x3], $0x20, s31, s15, $0xb8;
	[tilespmem:$0xF570] =	vst v63  }
0x33: {  	_ =	swait.ge [sflag:s12], $0x1900  }
0x34: {  	s24 =	simm.s32 $0xC80;
	s23 =	simm.s32 $0x190;
	[sflag:s12] =	ssyncset.done $0x0  }
.LBB2_2:
0x35: {  	s25 =	sadd.s32 $0xC8, s23  }
0x36: {  	[sflag:s12] =	ssyncadd.s32 $0xFFFFE700;
	s26 =	smov.u32 s24;
	s28 =	sadd.s32 $0x640, s24  }
0x37: {  	[tilespmem:s17], [sflag:$0x2] =	stream.indirect.gather [spmem:s1], $0x20, s25, s15, $0xb8;
	[tilespmem:$0xF570] =	vst v63  }
0x38: {  	p1 =	sne.s32 s24, $0x44C0;
	_ =	swait.ge [sflag:s18], $0x1900  }
0x39: {  	[sflag:s18] =	ssyncset.done $0x0  }
0x3a: {  	s24 =	sadd.s32 $0x1388, s23;
	[sflag:s18] =	ssyncadd.s32 $0xFFFFE700  }
0x3b: {  	[spmem:s2] =	stream.indirect.scatter.add.f32 [tilespmem:s16], [sflag:$0x3], $0x20, s24, s15, $0xb8;
	[tilespmem:$0xF570] =	vst v63  }
0x3c: {  	_ =	swait.ge [sflag:s12], $0x1900  }
0x3d: {  	[sflag:s12] =	ssyncset.done $0x0  }
0x3e: {  	s24 =	sadd.s32 $0x190, s23;
	[sflag:s12] =	ssyncadd.s32 $0xFFFFE700  }
0x3f: {  	[tilespmem:s16], [sflag:$0x1] =	stream.indirect.gather [spmem:s1], $0x20, s24, s15, $0xb8;
	[tilespmem:$0xF570] =	vst v63  }
0x40: {  	_ =	swait.ge [sflag:s19], $0x1900  }
.Ltmp0:
0x41: {  	[sflag:s19] =	ssyncset.done $0x0;
	(pc) =	sbr.rel @p1 .LBB2_2-.Ltmp0, $4  }
0x42: {  	s23 =	sadd.s32 $0x1450, s23;
	[sflag:s19] =	ssyncadd.s32 $0xFFFFE700  }
0x43: {  	[spmem:s2] =	stream.indirect.scatter.add.f32 [tilespmem:s17], [sflag:$0x3], $0x20, s23, s15, $0xb8;
	[tilespmem:$0xF570] =	vst v63  }
0x44: {  	_ =	swait.ge [sflag:s12], $0x1900  }
0x45: {  	s24 =	smov.u32 s28;
	s23 =	sshra.s32 s26, $0x2;
	[sflag:s12] =	ssyncset.done $0x0  }
0x46: {  	s24 =	sadd.s32 $0xC8, s23;
	[sflag:s12] =	ssyncadd.s32 $0xFFFFE700  }
0x47: {  	[tilespmem:s17], [sflag:$0x2] =	stream.indirect.gather [spmem:s1], $0x20, s24, s15, $0xb8;
	[tilespmem:$0xF570] =	vst v63  }
0x48: {  	_ =	swait.ge [sflag:s18], $0x1900  }
0x49: {  	[sflag:s18] =	ssyncset.done $0x0  }
0x4a: {  	s29 =	sadd.s32 $0x1388, s23;
	[sflag:s18] =	ssyncadd.s32 $0xFFFFE700  }
0x4b: {  	[spmem:s2] =	stream.indirect.scatter.add.f32 [tilespmem:s16], [sflag:$0x3], $0x20, s29, s15, $0xb8;
	[tilespmem:$0xF570] =	vst v63  }
0x4c: {  	_ =	swait.ge [sflag:s12], $0x1900  }
0x4d: {  	[sflag:s12] =	ssyncset.done $0x0  }
0x4e: {  	s30 =	sadd.s32 $0x190, s23;
	[sflag:s12] =	ssyncadd.s32 $0xFFFFE700  }
0x4f: {  	[tilespmem:s16], [sflag:$0x1] =	stream.indirect.gather [spmem:s1], $0x20, s30, s15, $0xb8;
	[tilespmem:$0xF570] =	vst v63  }
0x50: {  	_ =	swait.ge [sflag:s19], $0x1900  }
0x51: {  	[sflag:s19] =	ssyncset.done $0x0  }
0x52: {  	s31 =	sadd.s32 $0x1450, s23;
	[sflag:s19] =	ssyncadd.s32 $0xFFFFE700  }
0x53: {  	[spmem:s2] =	stream.indirect.scatter.add.f32 [tilespmem:s17], [sflag:$0x3], $0x20, s31, s15, $0xb8;
	[tilespmem:$0xF570] =	vst v63  }
0x54: {  	_ =	swait.ge [sflag:s12], $0x1900  }
0x55: {  	[sflag:s12] =	ssyncset.done $0x0  }
0x56: {  	[sflag:s12] =	ssyncadd.s32 $0xFFFFE700  }
0x57: {  	_ =	swait.ge [sflag:s18], $0x1900  }
0x58: {  	[sflag:s18] =	ssyncset.done $0x0  }
0x59: {  	[sflag:s18] =	ssyncadd.s32 $0xFFFFE700  }
0x5a: {  	[spmem:s2] =	stream.indirect.scatter.add.f32 [tilespmem:s16], [sflag:$0x3], $0x20, s20, s15, $0xb8;
	[tilespmem:$0xF570] =	vst v63  }
0x5b: {  	_ =	swait.ge [sflag:s12], $0x1900  }
0x5c: {  	s22 =	sadd.s32 $0x1, s22;
	[sflag:s12] =	ssyncset.done $0x0  }
0x5d: {  	p1 =	sne.s32 s22, s10;
	[sflag:s12] =	ssyncadd.s32 $0xFFFFE700  }
.Ltmp1:
0x5e: {  	s23 =	simm.s32 @!p0 $0x3;
	[bflag:$0x0] =	sbarrier.arrive $0xFFFF;
	(pc) =	sbr.rel @p1 .LBB2_1-.Ltmp1, $4  }
0x5f: {  	[hbm:s9], [sflag:s5] =	dma.local @!p0 [spmem:s21], $0x9C40  }
0x60: {  	_ =	swait.ge @!p0 [sflag:s23], $0x9C40  }
0x61: {  	[sflag:s23] =	ssyncset.done @!p0 $0x0  }
0x62: {  	[sflag:s23] =	ssyncadd.s32 @!p0 $0xFFFF63C0  }
0x63: {  	_ =	sfence.sel $0x180000  }
0x64: {  	[bflag:$0x0] =	sbarrier.arrive $0xFFFF  }
0x65: {  	_ =	strace $0x9000004D  }
0x66: {  	s0 =	sadd.s32 @!p0 $0x100000, s0;
	[bflag:$0x2] =	sbarrier.arrive $0xFFFF  }
0x67: {  	[sflag:s0] =	ssyncadd.tile.s32 @!p0 $0x1;
	_ =	shalt  }
.Lfunc_end2:
_tile_overlayer_lowered:
.L_overlay_start_2:
0x68: {  	(tag) =	ssettag $0x2  }
0x69: {  	s0 =	rddreg [dreg:$0x0];
	s2 =	stileid.u32  }
0x6a: {  	s1 =	rddreg [dreg:$0x1];
	p0 =	sne.s32 s2, $0x0  }
0x6b: {  	s3 =	rddreg [dreg:$0x2];
	[bflag:$0x3] =	sbarrier.arrive $0xFFFF;
	s2 =	simm.s32 @!p0 $0x1C03  }
0x6c: {  	[timem:s3], [sflag:s2] =	dma.local @!p0 [hbm:s0], s1  }
0x6d: {  	s0 =	simm.s32 @!p0 $0x3  }
0x6e: {  	_ =	swait.ge @!p0 [sflag:s0], s1  }
0x6f: {  	s1 =	ssub.s32 @!p0 $0x0, s1;
	[sflag:s0] =	ssyncset.done @!p0 $0x0  }
0x70: {  	[sflag:s0] =	ssyncadd.s32 @!p0 s1  }
0x71: {  	[bflag:$0x3] =	sbarrier.arrive $0xFFFF  }
0x72: {  	_ =	shalt  }

</sc_bundles>
